<compile_context>
chip_gen: v7x
topology: tpu7x:2x2x1
jax: 0.10.2.dev20260603
libtpu: 0.0.44.dev20260713+nightly
codegen_flags: <defaults>
</compile_context>

<pallas_src>
import functools

import jax
import jax.numpy as jnp
from jax import lax
from jax.experimental import pallas as pl
from jax.experimental.pallas import tpu as pltpu
from jax.experimental.pallas import tpu_sc as plsc

_C_PAD = 128


def _tc_body(*refs, uy):
    x_ref, w_ref, cc_ref = refs[:3]
    sims_ref, bmu_ref, flat_ref, pmi_ref, wn_ref = refs[-5:]
    i = pl.program_id(0)

    @pl.when(i == 0)
    def _prep():
        wv = w_ref[...]
        wn = jnp.sqrt(jnp.sum(wv * wv, axis=1, keepdims=True))
        wn_ref[...] = wv / (wn + 1e-6)

        cc = cc_ref[...]
        denom = jnp.sum(cc, axis=1, keepdims=True)
        cond = cc / (denom + 1e-6)
        prior = jnp.sum(cc, axis=0, keepdims=True)
        prior = prior / (jnp.sum(cc) + 1e-6)
        pmi_ref[...] = jnp.log(cond / (prior + 1e-6) + 1e-6)

    xv = x_ref[...]
    xn = jnp.sqrt(jnp.sum(xv * xv, axis=1, keepdims=True))
    xv = xv / (xn + 1e-6)

    sims = lax.dot_general(
        xv, wn_ref[...],
        dimension_numbers=(((1,), (1,)), ((), ())),
        preferred_element_type=jnp.float32,
    )
    sims_ref[...] = sims

    tq = sims.shape[0]
    flat = jnp.argmax(sims, axis=1).astype(jnp.int32)
    flat2 = flat.reshape(tq, 1)
    flat_ref[...] = flat2
    bmu_ref[...] = jnp.concatenate([flat2 // uy, flat2 % uy], axis=1)


def _tc_half(x, w, cc, sims_buf, bmu_buf, *, tile_off, n_tiles, tq, uy):
    q, d = x.shape
    k = w.shape[0]
    qh = n_tiles * tq
    in_specs = [
        pl.BlockSpec((tq, d), lambda i: (i + tile_off, 0)),
        pl.BlockSpec((k, d), lambda i: (0, 0)),
        pl.BlockSpec((k, _C_PAD), lambda i: (0, 0)),
    ]
    operands = [x, w, cc]
    aliases = {}
    if sims_buf is not None:
        in_specs += [
            pl.BlockSpec(memory_space=pl.ANY),
            pl.BlockSpec(memory_space=pl.ANY),
        ]
        operands += [sims_buf, bmu_buf]
        aliases = {3: 0, 4: 1}
    return pl.pallas_call(
        functools.partial(_tc_body, uy=uy),
        grid=(n_tiles,),
        in_specs=in_specs,
        out_specs=[
            pl.BlockSpec((tq, k), lambda i: (i + tile_off, 0)),
            pl.BlockSpec((tq, 2), lambda i: (i + tile_off, 0)),
            pl.BlockSpec((tq, 1), lambda i: (i, 0)),
            pl.BlockSpec((k, _C_PAD), lambda i: (0, 0)),
        ],
        out_shape=[
            jax.ShapeDtypeStruct((q, k), jnp.float32),
            jax.ShapeDtypeStruct((q, 2), jnp.int32),
            jax.ShapeDtypeStruct((qh, 1), jnp.int32),
            jax.ShapeDtypeStruct((k, _C_PAD), jnp.float32),
        ],
        scratch_shapes=[
            pltpu.VMEM((k, d), jnp.float32),
        ],
        input_output_aliases=aliases,
    )(*operands)


def _sc_gather_make(b, d_pad):
    info = plsc.get_sparse_core_info()
    nw = info.num_cores * info.num_subcores
    b_per_w = b // nw
    mesh = plsc.VectorSubcoreMesh(core_axis_name="c", subcore_axis_name="s")

    @functools.partial(
        pl.kernel, mesh=mesh,
        out_type=jax.ShapeDtypeStruct((b, d_pad), jnp.float32),
        scratch_types=[
            pltpu.VMEM((b_per_w,), jnp.int32),
            pltpu.VMEM((b_per_w, d_pad), jnp.float32),
            pltpu.SemaphoreType.DMA,
        ],
    )
    def gather_k(table_hbm, idx_hbm, out_hbm, idx_v, rows_v, sem):
        wid = lax.axis_index("s") * info.num_cores + lax.axis_index("c")
        base = wid * b_per_w
        pltpu.sync_copy(idx_hbm.at[pl.ds(base, b_per_w)], idx_v)
        pltpu.async_copy(table_hbm.at[idx_v], rows_v, sem).wait()
        pltpu.sync_copy(rows_v, out_hbm.at[pl.ds(base, b_per_w)])

    return gather_k


def kernel(x, som, class_count):
    q, d = x.shape
    ux, uy, _ = som.shape
    k = ux * uy
    c = class_count.shape[-1]
    w = som.reshape(k, d)
    cc = jnp.pad(class_count.reshape(k, c), ((0, 0), (0, _C_PAD - c)))

    tq = 512
    half = q // 2
    n_tiles = half // tq

    sims, bmu, flat_a, pmi = _tc_half(
        x, w, cc, None, None, tile_off=0, n_tiles=n_tiles, tq=tq, uy=uy)
    sims, bmu, flat_b, _ = _tc_half(
        x, w, cc, sims, bmu, tile_off=n_tiles, n_tiles=n_tiles, tq=tq, uy=uy)

    gather = _sc_gather_make(half, _C_PAD)
    bpmi_a = gather(pmi, flat_a.reshape(half))[:, :c]
    bpmi_b = gather(pmi, flat_b.reshape(half))[:, :c]
    bmu_pmi = jnp.concatenate([bpmi_a, bpmi_b], axis=0)

    return sims, bmu, bmu_pmi

# --- scband reference (transcript-rebuilt; emitter-appended) ---
"""Pipeline reference for scband-test-class-31069793419828 (READ-ONLY COPY).

The authoritative reference and input builder live on the scoring server;
editing this copy changes nothing except your own understanding.
"""

import jax, jax.numpy as jnp
import numpy as np


def setup_inputs(seed: int = 0) -> dict:
    key = jax.random.key(seed)
    k1, k2, k3 = jax.random.split(key, 3)
    x = jax.random.normal(k1, (4096, 128), dtype=jnp.float32)
    som = jax.random.normal(k2, (64, 64, 128), dtype=jnp.float32)
    # class_count: non-negative BMU-per-class hit counts, shape [unitsX, unitsY, n_classes]
    class_count = jax.random.uniform(k3, (64, 64, 10), dtype=jnp.float32) * 10.0
    return {"x": x, "som": som, "class_count": class_count}


def reference(x, som, class_count):
    # --- CosineDistanceLayer: cosine similarity between inputs and SOM unit weights ---
    unitsX, unitsY, d = som.shape
    w = som.reshape(unitsX * unitsY, d)
    x_n = x / (jnp.linalg.norm(x, axis=1, keepdims=True) + 1e-6)
    w_n = w / (jnp.linalg.norm(w, axis=1, keepdims=True) + 1e-6)
    sims = x_n @ w_n.T  # [Q, unitsX*unitsY]

    # --- MaxLayer: best matching unit (BMU) selection (top-1 retrieval) ---
    bmu_flat = jnp.argmax(sims, axis=1)
    bmu = jnp.stack([bmu_flat // unitsY, bmu_flat % unitsY], axis=1)  # [Q, 2]

    # --- setPMI: point-wise mutual information per unit (Dendritic SOM eq. 10) ---
    n_classes = class_count.shape[-1]
    bmu_count = class_count.reshape(-1, n_classes)
    denom = jnp.expand_dims(jnp.sum(bmu_count, axis=1), axis=1)
    conditional_probability = bmu_count / (denom + 1e-6)
    prior = jnp.sum(bmu_count, axis=0)
    prior = prior / (jnp.sum(bmu_count) + 1e-6)
    pmi = jnp.log(conditional_probability / (prior + 1e-6) + 1e-6)
    pmi = pmi.reshape(class_count.shape)  # [unitsX, unitsY, n_classes]

    # --- get_bmu_PMI: gather_nd of PMI at BMU coordinates ---
    bmu_pmi = pmi[bmu[:, 0], bmu[:, 1]]  # [Q, n_classes]

    return sims, bmu, bmu_pmi

if __name__ == "__main__":
    import jax
    _d = setup_inputs()
    print(jax.jit(kernel)(*tuple(_d.values())))

</pallas_src>

<mosaic_0001>
#map = affine_map<(d0, d1) -> (0, 0)>
#map1 = affine_map<(d0, d1) -> (0)>
module attributes {stable_mosaic.version = 14 : i64} {
  func.func @gather_k(%arg0: i32, %arg1: i32, %arg2: memref<4096x128xf32, #tpu.memory_space<hbm>>, %arg3: memref<2048xi32, #tpu.memory_space<hbm>>, %arg4: memref<2048x128xf32, #tpu.memory_space<hbm>>, %arg5: memref<64xi32, #tpu.memory_space<vmem>>, %arg6: memref<64x128xf32, #tpu.memory_space<vmem>>, %arg7: memref<!tpu.dma_semaphore, #tpu.memory_space<semaphore_mem>>) attributes {dimension_semantics = [#tpu.dimension_semantics<core_parallel>, #tpu.dimension_semantics<subcore_parallel>], iteration_bounds = array<i64: 2, 16>, scalar_prefetch = 0 : i64, scratch_operands = 3 : i64, tpu.core_type = #tpu.core_type<sc_vector_subcore>, window_params = [{transform_indices = #map}, {transform_indices = #map1}, {transform_indices = #map}]} {
    %mul3A = arith.constant 2 : i32
    %mul3A_0 = arith.muli %arg1, %mul3A : i32
    %add3A = arith.addi %mul3A_0, %arg0 : i32
    %mul3A_1 = arith.constant 64 : i32
    %mul3A_2 = arith.muli %add3A, %mul3A_1 : i32
    "tpu.region"() ({
      %run_scoped3A = tpu.sem_alloc : memref<!tpu.dma_semaphore, #tpu.memory_space<semaphore_mem>>
      %dma_start3A_7 = tpu.memref_slice %arg3[%mul3A_2] : memref<2048xi32, #tpu.memory_space<hbm>> -> memref<64xi32, #tpu.memory_space<hbm>>
      %dma_start3A_8 = tpu.memref_slice %arg3[%mul3A_2] : memref<2048xi32, #tpu.memory_space<hbm>> -> memref<64xi32, #tpu.memory_space<hbm>>
      tpu.enqueue_dma source(%dma_start3A_8 : memref<64xi32, #tpu.memory_space<hbm>>) target(%arg5 : memref<64xi32, #tpu.memory_space<vmem>>) target_semaphore(%run_scoped3A : memref<!tpu.dma_semaphore, #tpu.memory_space<semaphore_mem>>)
      %dma_wait3A_9 = tpu.memref_slice %arg3[%mul3A_2] : memref<2048xi32, #tpu.memory_space<hbm>> -> memref<64xi32, #tpu.memory_space<hbm>>
      %dma_wait3A_10 = tpu.memref_slice %arg3[%mul3A_2] : memref<2048xi32, #tpu.memory_space<hbm>> -> memref<64xi32, #tpu.memory_space<hbm>>
      tpu.wait_dma2 semaphore(%run_scoped3A : memref<!tpu.dma_semaphore, #tpu.memory_space<semaphore_mem>>) src(%dma_wait3A_10 : memref<64xi32, #tpu.memory_space<hbm>>) dst(%arg5 : memref<64xi32, #tpu.memory_space<vmem>>)
      tpu.yield
    }) : () -> ()
    %dma_start3A = arith.constant 0 : i32
    %dma_start3A_3 = arith.constant 0 : i32
    %dma_start3A_4 = tpu.memref_slice %arg2[%dma_start3A, %dma_start3A_3] : memref<4096x128xf32, #tpu.memory_space<hbm>> -> memref<4096x128xf32, #tpu.memory_space<hbm>>
    tpu.enqueue_indirect_dma source(%dma_start3A_4 : memref<4096x128xf32, #tpu.memory_space<hbm>>) target(%arg6 : memref<64x128xf32, #tpu.memory_space<vmem>>) offsets(%arg5 : memref<64xi32, #tpu.memory_space<vmem>>) semaphore(%arg7 : memref<!tpu.dma_semaphore, #tpu.memory_space<semaphore_mem>>)
    %dma_wait3A = arith.constant 0 : i32
    %dma_wait3A_5 = arith.constant 0 : i32
    %dma_wait3A_6 = tpu.memref_slice %arg2[%dma_wait3A, %dma_wait3A_5] : memref<4096x128xf32, #tpu.memory_space<hbm>> -> memref<4096x128xf32, #tpu.memory_space<hbm>>
    tpu.wait_indirect_dma semaphore(%arg7 : memref<!tpu.dma_semaphore, #tpu.memory_space<semaphore_mem>>) src(%dma_wait3A_6 : memref<4096x128xf32, #tpu.memory_space<hbm>>) dst(%arg6 : memref<64x128xf32, #tpu.memory_space<vmem>>)
    "tpu.region"() ({
      %run_scoped3A = tpu.sem_alloc : memref<!tpu.dma_semaphore, #tpu.memory_space<semaphore_mem>>
      %dma_start3A_7 = arith.constant 0 : i32
      %dma_start3A_8 = tpu.memref_slice %arg4[%mul3A_2, %dma_start3A_7] : memref<2048x128xf32, #tpu.memory_space<hbm>> -> memref<64x128xf32, #tpu.memory_space<hbm>>
      %dma_start3A_9 = arith.constant 0 : i32
      %dma_start3A_10 = tpu.memref_slice %arg4[%mul3A_2, %dma_start3A_9] : memref<2048x128xf32, #tpu.memory_space<hbm>> -> memref<64x128xf32, #tpu.memory_space<hbm>>
      tpu.enqueue_dma source(%arg6 : memref<64x128xf32, #tpu.memory_space<vmem>>) target(%dma_start3A_10 : memref<64x128xf32, #tpu.memory_space<hbm>>) target_semaphore(%run_scoped3A : memref<!tpu.dma_semaphore, #tpu.memory_space<semaphore_mem>>)
      %dma_wait3A_11 = arith.constant 0 : i32
      %dma_wait3A_12 = tpu.memref_slice %arg4[%mul3A_2, %dma_wait3A_11] : memref<2048x128xf32, #tpu.memory_space<hbm>> -> memref<64x128xf32, #tpu.memory_space<hbm>>
      %dma_wait3A_13 = arith.constant 0 : i32
      %dma_wait3A_14 = tpu.memref_slice %arg4[%mul3A_2, %dma_wait3A_13] : memref<2048x128xf32, #tpu.memory_space<hbm>> -> memref<64x128xf32, #tpu.memory_space<hbm>>
      tpu.wait_dma2 semaphore(%run_scoped3A : memref<!tpu.dma_semaphore, #tpu.memory_space<semaphore_mem>>) src(%arg6 : memref<64x128xf32, #tpu.memory_space<vmem>>) dst(%dma_wait3A_14 : memref<64x128xf32, #tpu.memory_space<hbm>>)
      tpu.yield
    }) : () -> ()
    return
  }
}

#map = affine_map<(d0, d1) -> (0, 0)>
#map1 = affine_map<(d0, d1) -> (0)>
module attributes {stable_mosaic.version = 14 : i64} {
  func.func @gather_k(%arg0: i32, %arg1: i32, %arg2: memref<4096x128xf32, #tpu.memory_space<hbm>>, %arg3: memref<2048xi32, #tpu.memory_space<hbm>>, %arg4: memref<2048x128xf32, #tpu.memory_space<hbm>>, %arg5: memref<64xi32, #tpu.memory_space<vmem>>, %arg6: memref<64x128xf32, #tpu.memory_space<vmem>>, %arg7: memref<!tpu.dma_semaphore, #tpu.memory_space<semaphore_mem>>) attributes {dimension_semantics = [#tpu.dimension_semantics<core_parallel>, #tpu.dimension_semantics<subcore_parallel>], iteration_bounds = array<i64: 2, 16>, scalar_prefetch = 0 : i64, scratch_operands = 3 : i64, tpu.core_type = #tpu.core_type<sc_vector_subcore>, window_params = [{transform_indices = #map}, {transform_indices = #map1}, {transform_indices = #map}]} {
    %mul3A = arith.constant 2 : i32
    %mul3A_0 = arith.muli %arg1, %mul3A : i32
    %add3A = arith.addi %mul3A_0, %arg0 : i32
    %mul3A_1 = arith.constant 64 : i32
    %mul3A_2 = arith.muli %add3A, %mul3A_1 : i32
    "tpu.region"() ({
      %run_scoped3A = tpu.sem_alloc : memref<!tpu.dma_semaphore, #tpu.memory_space<semaphore_mem>>
      %dma_start3A_7 = tpu.memref_slice %arg3[%mul3A_2] : memref<2048xi32, #tpu.memory_space<hbm>> -> memref<64xi32, #tpu.memory_space<hbm>>
      %dma_start3A_8 = tpu.memref_slice %arg3[%mul3A_2] : memref<2048xi32, #tpu.memory_space<hbm>> -> memref<64xi32, #tpu.memory_space<hbm>>
      tpu.enqueue_dma source(%dma_start3A_8 : memref<64xi32, #tpu.memory_space<hbm>>) target(%arg5 : memref<64xi32, #tpu.memory_space<vmem>>) target_semaphore(%run_scoped3A : memref<!tpu.dma_semaphore, #tpu.memory_space<semaphore_mem>>)
      %dma_wait3A_9 = tpu.memref_slice %arg3[%mul3A_2] : memref<2048xi32, #tpu.memory_space<hbm>> -> memref<64xi32, #tpu.memory_space<hbm>>
      %dma_wait3A_10 = tpu.memref_slice %arg3[%mul3A_2] : memref<2048xi32, #tpu.memory_space<hbm>> -> memref<64xi32, #tpu.memory_space<hbm>>
      tpu.wait_dma2 semaphore(%run_scoped3A : memref<!tpu.dma_semaphore, #tpu.memory_space<semaphore_mem>>) src(%dma_wait3A_10 : memref<64xi32, #tpu.memory_space<hbm>>) dst(%arg5 : memref<64xi32, #tpu.memory_space<vmem>>)
      tpu.yield
    }) : () -> ()
    %dma_start3A = arith.constant 0 : i32
    %dma_start3A_3 = arith.constant 0 : i32
    %dma_start3A_4 = tpu.memref_slice %arg2[%dma_start3A, %dma_start3A_3] : memref<4096x128xf32, #tpu.memory_space<hbm>> -> memref<4096x128xf32, #tpu.memory_space<hbm>>
    tpu.enqueue_indirect_dma source(%dma_start3A_4 : memref<4096x128xf32, #tpu.memory_space<hbm>>) target(%arg6 : memref<64x128xf32, #tpu.memory_space<vmem>>) offsets(%arg5 : memref<64xi32, #tpu.memory_space<vmem>>) semaphore(%arg7 : memref<!tpu.dma_semaphore, #tpu.memory_space<semaphore_mem>>)
    %dma_wait3A = arith.constant 0 : i32
    %dma_wait3A_5 = arith.constant 0 : i32
    %dma_wait3A_6 = tpu.memref_slice %arg2[%dma_wait3A, %dma_wait3A_5] : memref<4096x128xf32, #tpu.memory_space<hbm>> -> memref<4096x128xf32, #tpu.memory_space<hbm>>
    tpu.wait_indirect_dma semaphore(%arg7 : memref<!tpu.dma_semaphore, #tpu.memory_space<semaphore_mem>>) src(%dma_wait3A_6 : memref<4096x128xf32, #tpu.memory_space<hbm>>) dst(%arg6 : memref<64x128xf32, #tpu.memory_space<vmem>>)
    "tpu.region"() ({
      %run_scoped3A = tpu.sem_alloc : memref<!tpu.dma_semaphore, #tpu.memory_space<semaphore_mem>>
      %dma_start3A_7 = arith.constant 0 : i32
      %dma_start3A_8 = tpu.memref_slice %arg4[%mul3A_2, %dma_start3A_7] : memref<2048x128xf32, #tpu.memory_space<hbm>> -> memref<64x128xf32, #tpu.memory_space<hbm>>
      %dma_start3A_9 = arith.constant 0 : i32
      %dma_start3A_10 = tpu.memref_slice %arg4[%mul3A_2, %dma_start3A_9] : memref<2048x128xf32, #tpu.memory_space<hbm>> -> memref<64x128xf32, #tpu.memory_space<hbm>>
      tpu.enqueue_dma source(%arg6 : memref<64x128xf32, #tpu.memory_space<vmem>>) target(%dma_start3A_10 : memref<64x128xf32, #tpu.memory_space<hbm>>) target_semaphore(%run_scoped3A : memref<!tpu.dma_semaphore, #tpu.memory_space<semaphore_mem>>)
      %dma_wait3A_11 = arith.constant 0 : i32
      %dma_wait3A_12 = tpu.memref_slice %arg4[%mul3A_2, %dma_wait3A_11] : memref<2048x128xf32, #tpu.memory_space<hbm>> -> memref<64x128xf32, #tpu.memory_space<hbm>>
      %dma_wait3A_13 = arith.constant 0 : i32
      %dma_wait3A_14 = tpu.memref_slice %arg4[%mul3A_2, %dma_wait3A_13] : memref<2048x128xf32, #tpu.memory_space<hbm>> -> memref<64x128xf32, #tpu.memory_space<hbm>>
      tpu.wait_dma2 semaphore(%run_scoped3A : memref<!tpu.dma_semaphore, #tpu.memory_space<semaphore_mem>>) src(%arg6 : memref<64x128xf32, #tpu.memory_space<vmem>>) dst(%dma_wait3A_14 : memref<64x128xf32, #tpu.memory_space<hbm>>)
      tpu.yield
    }) : () -> ()
    return
  }
}

module attributes {stable_mosaic.version = 14 : i64} {
  func.func @_tc_body(%arg0: i32, %arg1: memref<512x128xf32, #tpu.memory_space<vmem>>, %arg2: memref<4096x128xf32, #tpu.memory_space<vmem>>, %arg3: memref<4096x128xf32, #tpu.memory_space<vmem>>, %arg4: memref<512x4096xf32, #tpu.memory_space<vmem>>, %arg5: memref<512x2xi32, #tpu.memory_space<vmem>>, %arg6: memref<512x1xi32, #tpu.memory_space<vmem>>, %arg7: memref<4096x128xf32, #tpu.memory_space<vmem>>, %arg8: memref<4096x128xf32, #tpu.memory_space<vmem>>) attributes {dimension_semantics = [#tpu.dimension_semantics<arbitrary>], iteration_bounds = array<i64: 4>, scalar_prefetch = 0 : i64, scratch_operands = 1 : i64, tpu.core_type = #tpu.core_type<tc>, window_params = [{transform_indices = @transform_0, window_bounds = array<i64: 512, 128>}, {pipeline_mode = #tpu.pipeline_mode<synchronous>, transform_indices = @transform_1, window_bounds = array<i64: 4096, 128>}, {pipeline_mode = #tpu.pipeline_mode<synchronous>, transform_indices = @transform_2, window_bounds = array<i64: 4096, 128>}, {transform_indices = @transform_3, window_bounds = array<i64: 512, 4096>}, {transform_indices = @transform_4, window_bounds = array<i64: 512, 2>}, {transform_indices = @transform_5, window_bounds = array<i64: 512, 1>}, {pipeline_mode = #tpu.pipeline_mode<synchronous>, transform_indices = @transform_6, window_bounds = array<i64: 4096, 128>}]} {
    %eq3A = arith.constant 0 : i32
    %eq3A_0 = arith.cmpi eq, %arg0, %eq3A : i32
    %convert_element_type3A = arith.extui %eq3A_0 : i1 to i32
    %cond3A = arith.constant 0 : i32
    %cond3A_1 = arith.cmpi ne, %convert_element_type3A, %cond3A : i32
    scf.if %cond3A_1 {
      %get3A_65 = arith.constant 0 : index
      %get3A_66 = arith.constant 0 : index
      %get3A_67 = vector.load %arg2[%get3A_65, %get3A_66] : memref<4096x128xf32, #tpu.memory_space<vmem>>, vector<4096x128xf32>
      %mul3A_68 = arith.mulf %get3A_67, %get3A_67 : vector<4096x128xf32>
      %reduce_sum3A_69 = arith.constant dense<0.000000e+00> : vector<4096xf32>
      %reduce_sum3A_70 = vector.multi_reduction <add>, %mul3A_68, %reduce_sum3A_69 [1] : vector<4096x128xf32> to vector<4096xf32>
      %broadcast_in_dim3A_71 = vector.shape_cast %reduce_sum3A_70 : vector<4096xf32> to vector<4096x1xf32>
      %sqrt3A_72 = math.sqrt %broadcast_in_dim3A_71 : vector<4096x1xf32>
      %add3A_73 = arith.constant 9.99999997E-7 : f32
      %add3A_74 = vector.broadcast %add3A_73 : f32 to vector<4096x1xf32>
      %add3A_75 = arith.addf %sqrt3A_72, %add3A_74 : vector<4096x1xf32>
      %div3A_76 = vector.broadcast %add3A_75 : vector<4096x1xf32> to vector<4096x128xf32>
      %div3A_77 = arith.divf %get3A_67, %div3A_76 : vector<4096x128xf32>
      %swap3A_78 = arith.constant 0 : index
      %swap3A_79 = arith.constant 0 : index
      %swap3A_80 = vector.load %arg8[%swap3A_78, %swap3A_79] : memref<4096x128xf32, #tpu.memory_space<vmem>>, vector<4096x128xf32>
      tpu.vector_store %arg8[%swap3A_78, %swap3A_79], %div3A_77 {strides = array<i32>} : memref<4096x128xf32, #tpu.memory_space<vmem>>, vector<4096x128xf32>,
      %get3A_81 = arith.constant 0 : index
      %get3A_82 = arith.constant 0 : index
      %get3A_83 = vector.load %arg3[%get3A_81, %get3A_82] : memref<4096x128xf32, #tpu.memory_space<vmem>>, vector<4096x128xf32>
      %reduce_sum3A_84 = arith.constant dense<0.000000e+00> : vector<4096xf32>
      %reduce_sum3A_85 = vector.multi_reduction <add>, %get3A_83, %reduce_sum3A_84 [1] : vector<4096x128xf32> to vector<4096xf32>
      %broadcast_in_dim3A_86 = vector.shape_cast %reduce_sum3A_85 : vector<4096xf32> to vector<4096x1xf32>
      %add3A_87 = arith.constant 9.99999997E-7 : f32
      %add3A_88 = vector.broadcast %add3A_87 : f32 to vector<4096x1xf32>
      %add3A_89 = arith.addf %broadcast_in_dim3A_86, %add3A_88 : vector<4096x1xf32>
      %div3A_90 = vector.broadcast %add3A_89 : vector<4096x1xf32> to vector<4096x128xf32>
      %div3A_91 = arith.divf %get3A_83, %div3A_90 : vector<4096x128xf32>
      %reduce_sum3A_92 = arith.constant dense<0.000000e+00> : vector<128xf32>
      %reduce_sum3A_93 = vector.multi_reduction <add>, %get3A_83, %reduce_sum3A_92 [0] : vector<4096x128xf32> to vector<128xf32>
      %broadcast_in_dim3A_94 = vector.shape_cast %reduce_sum3A_93 : vector<128xf32> to vector<1x128xf32>
      %reduce_sum3A_95 = vector.shape_cast %get3A_83 : vector<4096x128xf32> to vector<1x4096x128xf32>
      %reduce_sum3A_96 = arith.constant dense<0.000000e+00> : vector<1xf32>
      %reduce_sum3A_97 = vector.multi_reduction <add>, %reduce_sum3A_95, %reduce_sum3A_96 [1, 2] : vector<1x4096x128xf32> to vector<1xf32>
      %reduce_sum3A_98 = vector.shape_cast %reduce_sum3A_97 : vector<1xf32> to vector<1x1x1xf32>
      %reduce_sum3A_99 = vector.extract %reduce_sum3A_98[0, 0, 0] : f32 from vector<1x1x1xf32>
      %add3A_100 = arith.constant 9.99999997E-7 : f32
      %add3A_101 = arith.addf %reduce_sum3A_99, %add3A_100 : f32
      %div3A_102 = vector.broadcast %add3A_101 : f32 to vector<1x128xf32>
      %div3A_103 = arith.divf %broadcast_in_dim3A_94, %div3A_102 : vector<1x128xf32>
      %add3A_104 = arith.constant 9.99999997E-7 : f32
      %add3A_105 = vector.broadcast %add3A_104 : f32 to vector<1x128xf32>
      %add3A_106 = arith.addf %div3A_103, %add3A_105 : vector<1x128xf32>
      %div3A_107 = vector.broadcast %add3A_106 : vector<1x128xf32> to vector<4096x128xf32>
      %div3A_108 = arith.divf %div3A_91, %div3A_107 : vector<4096x128xf32>
      %add3A_109 = arith.constant 9.99999997E-7 : f32
      %add3A_110 = vector.broadcast %add3A_109 : f32 to vector<4096x128xf32>
      %add3A_111 = arith.addf %div3A_108, %add3A_110 : vector<4096x128xf32>
      %log3A = math.log %add3A_111 : vector<4096x128xf32>
      %swap3A_112 = arith.constant 0 : index
      %swap3A_113 = arith.constant 0 : index
      %swap3A_114 = vector.load %arg7[%swap3A_112, %swap3A_113] : memref<4096x128xf32, #tpu.memory_space<vmem>>, vector<4096x128xf32>
      tpu.vector_store %arg7[%swap3A_112, %swap3A_113], %log3A {strides = array<i32>} : memref<4096x128xf32, #tpu.memory_space<vmem>>, vector<4096x128xf32>,
    } else {
    }
    %get3A = arith.constant 0 : index
    %get3A_2 = arith.constant 0 : index
    %get3A_3 = vector.load %arg1[%get3A, %get3A_2] : memref<512x128xf32, #tpu.memory_space<vmem>>, vector<512x128xf32>
    %mul3A = arith.mulf %get3A_3, %get3A_3 : vector<512x128xf32>
    %reduce_sum3A = arith.constant dense<0.000000e+00> : vector<512xf32>
    %reduce_sum3A_4 = vector.multi_reduction <add>, %mul3A, %reduce_sum3A [1] : vector<512x128xf32> to vector<512xf32>
    %broadcast_in_dim3A = vector.shape_cast %reduce_sum3A_4 : vector<512xf32> to vector<512x1xf32>
    %sqrt3A = math.sqrt %broadcast_in_dim3A : vector<512x1xf32>
    %add3A = arith.constant 9.99999997E-7 : f32
    %add3A_5 = vector.broadcast %add3A : f32 to vector<512x1xf32>
    %add3A_6 = arith.addf %sqrt3A, %add3A_5 : vector<512x1xf32>
    %div3A = vector.broadcast %add3A_6 : vector<512x1xf32> to vector<512x128xf32>
    %div3A_7 = arith.divf %get3A_3, %div3A : vector<512x128xf32>
    %get3A_8 = arith.constant 0 : index
    %get3A_9 = arith.constant 0 : index
    %get3A_10 = vector.load %arg8[%get3A_8, %get3A_9] : memref<4096x128xf32, #tpu.memory_space<vmem>>, vector<4096x128xf32>
    %dot_general3A = arith.constant dense<0.000000e+00> : vector<512x4096xf32>
    %dot_general3A_11 = tpu.matmul %div3A_7, %get3A_10, %dot_general3A {dimension_numbers = #tpu.dot_dimension_numbers<[1], [1], [0], [0], [0, 0, 1, 0], [], []>, transpose_lhs_hint = false} : vector<512x128xf32>, vector<4096x128xf32>, vector<512x4096xf32> -> vector<512x4096xf32>
    %swap3A = arith.constant 0 : index
    %swap3A_12 = arith.constant 0 : index
    %swap3A_13 = vector.load %arg4[%swap3A, %swap3A_12] : memref<512x4096xf32, #tpu.memory_space<vmem>>, vector<512x4096xf32>
    tpu.vector_store %arg4[%swap3A, %swap3A_12], %dot_general3A_11 {strides = array<i32>} : memref<512x4096xf32, #tpu.memory_space<vmem>>, vector<512x4096xf32>,
    %argmax3A = tpu.reduce_index %dot_general3A_11 {axis = 1 : i32, kind = #tpu.reduction_kind<arg_max>} : vector<512x4096xf32> -> vector<512xi32>
    %reshape3A = vector.shape_cast %argmax3A : vector<512xi32> to vector<512x1xi32>
    %swap3A_14 = arith.constant 0 : index
    %swap3A_15 = arith.constant 0 : index
    %swap3A_16 = vector.load %arg6[%swap3A_14, %swap3A_15] : memref<512x1xi32, #tpu.memory_space<vmem>>, vector<512x1xi32>
    tpu.vector_store %arg6[%swap3A_14, %swap3A_15], %reshape3A {strides = array<i32>} : memref<512x1xi32, #tpu.memory_space<vmem>>, vector<512x1xi32>,
    %jit3A = arith.constant 64 : i32
    %div3A_17 = vector.broadcast %jit3A : i32 to vector<512x1xi32>
    %div3A_18 = arith.divsi %reshape3A, %div3A_17 : vector<512x1xi32>
    %sign3A = arith.constant 0 : i32
    %sign3A_19 = vector.broadcast %sign3A : i32 to vector<512x1xi32>
    %sign3A_20 = arith.cmpi sgt, %reshape3A, %sign3A_19 : vector<512x1xi32>
    %sign3A_21 = arith.extui %sign3A_20 : vector<512x1xi1> to vector<512x1xi32>
    %sign3A_22 = arith.constant 0 : i32
    %sign3A_23 = vector.broadcast %sign3A_22 : i32 to vector<512x1xi32>
    %sign3A_24 = arith.cmpi slt, %reshape3A, %sign3A_23 : vector<512x1xi32>
    %sign3A_25 = arith.extui %sign3A_24 : vector<512x1xi1> to vector<512x1xi32>
    %sign3A_26 = arith.subi %sign3A_21, %sign3A_25 : vector<512x1xi32>
    %sign3A_27 = arith.constant 0 : i32
    %sign3A_28 = arith.cmpi sgt, %jit3A, %sign3A_27 : i32
    %sign3A_29 = arith.extui %sign3A_28 : i1 to i32
    %sign3A_30 = arith.constant 0 : i32
    %sign3A_31 = arith.cmpi slt, %jit3A, %sign3A_30 : i32
    %sign3A_32 = arith.extui %sign3A_31 : i1 to i32
    %sign3A_33 = arith.subi %sign3A_29, %sign3A_32 : i32
    %ne3A = vector.broadcast %sign3A_33 : i32 to vector<512x1xi32>
    %ne3A_34 = arith.cmpi ne, %sign3A_26, %ne3A : vector<512x1xi32>
    %rem3A = vector.broadcast %jit3A : i32 to vector<512x1xi32>
    %rem3A_35 = arith.remsi %reshape3A, %rem3A : vector<512x1xi32>
    %ne3A_36 = arith.constant 0 : i32
    %ne3A_37 = vector.broadcast %ne3A_36 : i32 to vector<512x1xi32>
    %ne3A_38 = arith.cmpi ne, %rem3A_35, %ne3A_37 : vector<512x1xi32>
    %and3A = arith.andi %ne3A_34, %ne3A_38 : vector<512x1xi1>
    %sub3A = arith.constant 1 : i32
    %sub3A_39 = vector.broadcast %sub3A : i32 to vector<512x1xi32>
    %sub3A_40 = arith.subi %div3A_18, %sub3A_39 : vector<512x1xi32>
    %select_n3A = arith.select %and3A, %sub3A_40, %div3A_18 : vector<512x1xi1>, vector<512x1xi32>
    %jit3A_41 = arith.constant 64 : i32
    %eq3A_42 = arith.constant 0 : i32
    %eq3A_43 = arith.cmpi eq, %jit3A_41, %eq3A_42 : i32
    %jit3A_44 = arith.constant 1 : i32
    %select_n3A_45 = arith.select %eq3A_43, %jit3A_44, %jit3A_41 : i32
    %rem3A_46 = vector.broadcast %select_n3A_45 : i32 to vector<512x1xi32>
    %rem3A_47 = arith.remsi %reshape3A, %rem3A_46 : vector<512x1xi32>
    %ne3A_48 = arith.constant 0 : i32
    %ne3A_49 = vector.broadcast %ne3A_48 : i32 to vector<512x1xi32>
    %ne3A_50 = arith.cmpi ne, %rem3A_47, %ne3A_49 : vector<512x1xi32>
    %lt3A = arith.constant 0 : i32
    %lt3A_51 = vector.broadcast %lt3A : i32 to vector<512x1xi32>
    %lt3A_52 = arith.cmpi slt, %rem3A_47, %lt3A_51 : vector<512x1xi32>
    %lt3A_53 = arith.constant 0 : i32
    %lt3A_54 = arith.cmpi slt, %select_n3A_45, %lt3A_53 : i32
    %ne3A_55 = vector.broadcast %lt3A_54 : i1 to vector<512x1xi1>
    %ne3A_56 = vector.broadcast %ne3A_55 : vector<512x1xi1> to vector<512x1xi1>
    %ne3A_57 = arith.xori %lt3A_52, %ne3A_56 : vector<512x1xi1>
    %and3A_58 = arith.andi %ne3A_57, %ne3A_50 : vector<512x1xi1>
    %add3A_59 = vector.broadcast %select_n3A_45 : i32 to vector<512x1xi32>
    %add3A_60 = arith.addi %rem3A_47, %add3A_59 : vector<512x1xi32>
    %select_n3A_61 = arith.select %and3A_58, %add3A_60, %rem3A_47 : vector<512x1xi1>, vector<512x1xi32>
    %concatenate3A = tpu.concatenate %select_n3A, %select_n3A_61 in 1 : vector<512x1xi32>, vector<512x1xi32> -> vector<512x2xi32>
    %swap3A_62 = arith.constant 0 : index
    %swap3A_63 = arith.constant 0 : index
    %swap3A_64 = vector.load %arg5[%swap3A_62, %swap3A_63] : memref<512x2xi32, #tpu.memory_space<vmem>>, vector<512x2xi32>
    tpu.vector_store %arg5[%swap3A_62, %swap3A_63], %concatenate3A {strides = array<i32>} : memref<512x2xi32, #tpu.memory_space<vmem>>, vector<512x2xi32>,
    return
  }
  func.func @transform_0(%arg0: i32) -> (i32, i32) {
    %add3A = arith.constant 0 : i32
    %add3A_0 = arith.addi %arg0, %add3A : i32
    %c0_i32 = arith.constant 0 : i32
    %c0_i32_1 = arith.constant 0 : i32
    return %add3A_0, %c0_i32 : i32, i32
  }
  func.func @transform_1(%arg0: i32) -> (i32, i32) {
    %c0_i32 = arith.constant 0 : i32
    %c0_i32_0 = arith.constant 0 : i32
    %c0_i32_1 = arith.constant 0 : i32
    return %c0_i32, %c0_i32_0 : i32, i32
  }
  func.func @transform_2(%arg0: i32) -> (i32, i32) {
    %c0_i32 = arith.constant 0 : i32
    %c0_i32_0 = arith.constant 0 : i32
    %c0_i32_1 = arith.constant 0 : i32
    return %c0_i32, %c0_i32_0 : i32, i32
  }
  func.func @transform_3(%arg0: i32) -> (i32, i32) {
    %add3A = arith.constant 0 : i32
    %add3A_0 = arith.addi %arg0, %add3A : i32
    %c0_i32 = arith.constant 0 : i32
    %c0_i32_1 = arith.constant 0 : i32
    return %add3A_0, %c0_i32 : i32, i32
  }
  func.func @transform_4(%arg0: i32) -> (i32, i32) {
    %add3A = arith.constant 0 : i32
    %add3A_0 = arith.addi %arg0, %add3A : i32
    %c0_i32 = arith.constant 0 : i32
    %c0_i32_1 = arith.constant 0 : i32
    return %add3A_0, %c0_i32 : i32, i32
  }
  func.func @transform_5(%arg0: i32) -> (i32, i32) {
    %c0_i32 = arith.constant 0 : i32
    %c0_i32_0 = arith.constant 0 : i32
    return %arg0, %c0_i32 : i32, i32
  }
  func.func @transform_6(%arg0: i32) -> (i32, i32) {
    %c0_i32 = arith.constant 0 : i32
    %c0_i32_0 = arith.constant 0 : i32
    %c0_i32_1 = arith.constant 0 : i32
    return %c0_i32, %c0_i32_0 : i32, i32
  }
}

module attributes {stable_mosaic.version = 14 : i64} {
  func.func @_tc_body(%arg0: i32, %arg1: memref<512x128xf32, #tpu.memory_space<vmem>>, %arg2: memref<4096x128xf32, #tpu.memory_space<vmem>>, %arg3: memref<4096x128xf32, #tpu.memory_space<vmem>>, %arg4: memref<4096x4096xf32, #tpu.memory_space<any>>, %arg5: memref<4096x2xi32, #tpu.memory_space<any>>, %arg6: memref<512x4096xf32, #tpu.memory_space<vmem>>, %arg7: memref<512x2xi32, #tpu.memory_space<vmem>>, %arg8: memref<512x1xi32, #tpu.memory_space<vmem>>, %arg9: memref<4096x128xf32, #tpu.memory_space<vmem>>, %arg10: memref<4096x128xf32, #tpu.memory_space<vmem>>) attributes {dimension_semantics = [#tpu.dimension_semantics<arbitrary>], iteration_bounds = array<i64: 4>, scalar_prefetch = 0 : i64, scratch_operands = 1 : i64, tpu.core_type = #tpu.core_type<tc>, window_params = [{transform_indices = @transform_0, window_bounds = array<i64: 512, 128>}, {pipeline_mode = #tpu.pipeline_mode<synchronous>, transform_indices = @transform_1, window_bounds = array<i64: 4096, 128>}, {pipeline_mode = #tpu.pipeline_mode<synchronous>, transform_indices = @transform_2, window_bounds = array<i64: 4096, 128>}, {}, {}, {transform_indices = @transform_5, window_bounds = array<i64: 512, 4096>}, {transform_indices = @transform_6, window_bounds = array<i64: 512, 2>}, {transform_indices = @transform_7, window_bounds = array<i64: 512, 1>}, {pipeline_mode = #tpu.pipeline_mode<synchronous>, transform_indices = @transform_8, window_bounds = array<i64: 4096, 128>}]} {
    %eq3A = arith.constant 0 : i32
    %eq3A_0 = arith.cmpi eq, %arg0, %eq3A : i32
    %convert_element_type3A = arith.extui %eq3A_0 : i1 to i32
    %cond3A = arith.constant 0 : i32
    %cond3A_1 = arith.cmpi ne, %convert_element_type3A, %cond3A : i32
    scf.if %cond3A_1 {
      %get3A_65 = arith.constant 0 : index
      %get3A_66 = arith.constant 0 : index
      %get3A_67 = vector.load %arg2[%get3A_65, %get3A_66] : memref<4096x128xf32, #tpu.memory_space<vmem>>, vector<4096x128xf32>
      %mul3A_68 = arith.mulf %get3A_67, %get3A_67 : vector<4096x128xf32>
      %reduce_sum3A_69 = arith.constant dense<0.000000e+00> : vector<4096xf32>
      %reduce_sum3A_70 = vector.multi_reduction <add>, %mul3A_68, %reduce_sum3A_69 [1] : vector<4096x128xf32> to vector<4096xf32>
      %broadcast_in_dim3A_71 = vector.shape_cast %reduce_sum3A_70 : vector<4096xf32> to vector<4096x1xf32>
      %sqrt3A_72 = math.sqrt %broadcast_in_dim3A_71 : vector<4096x1xf32>
      %add3A_73 = arith.constant 9.99999997E-7 : f32
      %add3A_74 = vector.broadcast %add3A_73 : f32 to vector<4096x1xf32>
      %add3A_75 = arith.addf %sqrt3A_72, %add3A_74 : vector<4096x1xf32>
      %div3A_76 = vector.broadcast %add3A_75 : vector<4096x1xf32> to vector<4096x128xf32>
      %div3A_77 = arith.divf %get3A_67, %div3A_76 : vector<4096x128xf32>
      %swap3A_78 = arith.constant 0 : index
      %swap3A_79 = arith.constant 0 : index
      %swap3A_80 = vector.load %arg10[%swap3A_78, %swap3A_79] : memref<4096x128xf32, #tpu.memory_space<vmem>>, vector<4096x128xf32>
      tpu.vector_store %arg10[%swap3A_78, %swap3A_79], %div3A_77 {strides = array<i32>} : memref<4096x128xf32, #tpu.memory_space<vmem>>, vector<4096x128xf32>,
      %get3A_81 = arith.constant 0 : index
      %get3A_82 = arith.constant 0 : index
      %get3A_83 = vector.load %arg3[%get3A_81, %get3A_82] : memref<4096x128xf32, #tpu.memory_space<vmem>>, vector<4096x128xf32>
      %reduce_sum3A_84 = arith.constant dense<0.000000e+00> : vector<4096xf32>
      %reduce_sum3A_85 = vector.multi_reduction <add>, %get3A_83, %reduce_sum3A_84 [1] : vector<4096x128xf32> to vector<4096xf32>
      %broadcast_in_dim3A_86 = vector.shape_cast %reduce_sum3A_85 : vector<4096xf32> to vector<4096x1xf32>
      %add3A_87 = arith.constant 9.99999997E-7 : f32
      %add3A_88 = vector.broadcast %add3A_87 : f32 to vector<4096x1xf32>
      %add3A_89 = arith.addf %broadcast_in_dim3A_86, %add3A_88 : vector<4096x1xf32>
      %div3A_90 = vector.broadcast %add3A_89 : vector<4096x1xf32> to vector<4096x128xf32>
      %div3A_91 = arith.divf %get3A_83, %div3A_90 : vector<4096x128xf32>
      %reduce_sum3A_92 = arith.constant dense<0.000000e+00> : vector<128xf32>
      %reduce_sum3A_93 = vector.multi_reduction <add>, %get3A_83, %reduce_sum3A_92 [0] : vector<4096x128xf32> to vector<128xf32>
      %broadcast_in_dim3A_94 = vector.shape_cast %reduce_sum3A_93 : vector<128xf32> to vector<1x128xf32>
      %reduce_sum3A_95 = vector.shape_cast %get3A_83 : vector<4096x128xf32> to vector<1x4096x128xf32>
      %reduce_sum3A_96 = arith.constant dense<0.000000e+00> : vector<1xf32>
      %reduce_sum3A_97 = vector.multi_reduction <add>, %reduce_sum3A_95, %reduce_sum3A_96 [1, 2] : vector<1x4096x128xf32> to vector<1xf32>
      %reduce_sum3A_98 = vector.shape_cast %reduce_sum3A_97 : vector<1xf32> to vector<1x1x1xf32>
      %reduce_sum3A_99 = vector.extract %reduce_sum3A_98[0, 0, 0] : f32 from vector<1x1x1xf32>
      %add3A_100 = arith.constant 9.99999997E-7 : f32
      %add3A_101 = arith.addf %reduce_sum3A_99, %add3A_100 : f32
      %div3A_102 = vector.broadcast %add3A_101 : f32 to vector<1x128xf32>
      %div3A_103 = arith.divf %broadcast_in_dim3A_94, %div3A_102 : vector<1x128xf32>
      %add3A_104 = arith.constant 9.99999997E-7 : f32
      %add3A_105 = vector.broadcast %add3A_104 : f32 to vector<1x128xf32>
      %add3A_106 = arith.addf %div3A_103, %add3A_105 : vector<1x128xf32>
      %div3A_107 = vector.broadcast %add3A_106 : vector<1x128xf32> to vector<4096x128xf32>
      %div3A_108 = arith.divf %div3A_91, %div3A_107 : vector<4096x128xf32>
      %add3A_109 = arith.constant 9.99999997E-7 : f32
      %add3A_110 = vector.broadcast %add3A_109 : f32 to vector<4096x128xf32>
      %add3A_111 = arith.addf %div3A_108, %add3A_110 : vector<4096x128xf32>
      %log3A = math.log %add3A_111 : vector<4096x128xf32>
      %swap3A_112 = arith.constant 0 : index
      %swap3A_113 = arith.constant 0 : index
      %swap3A_114 = vector.load %arg9[%swap3A_112, %swap3A_113] : memref<4096x128xf32, #tpu.memory_space<vmem>>, vector<4096x128xf32>
      tpu.vector_store %arg9[%swap3A_112, %swap3A_113], %log3A {strides = array<i32>} : memref<4096x128xf32, #tpu.memory_space<vmem>>, vector<4096x128xf32>,
    } else {
    }
    %get3A = arith.constant 0 : index
    %get3A_2 = arith.constant 0 : index
    %get3A_3 = vector.load %arg1[%get3A, %get3A_2] : memref<512x128xf32, #tpu.memory_space<vmem>>, vector<512x128xf32>
    %mul3A = arith.mulf %get3A_3, %get3A_3 : vector<512x128xf32>
    %reduce_sum3A = arith.constant dense<0.000000e+00> : vector<512xf32>
    %reduce_sum3A_4 = vector.multi_reduction <add>, %mul3A, %reduce_sum3A [1] : vector<512x128xf32> to vector<512xf32>
    %broadcast_in_dim3A = vector.shape_cast %reduce_sum3A_4 : vector<512xf32> to vector<512x1xf32>
    %sqrt3A = math.sqrt %broadcast_in_dim3A : vector<512x1xf32>
    %add3A = arith.constant 9.99999997E-7 : f32
    %add3A_5 = vector.broadcast %add3A : f32 to vector<512x1xf32>
    %add3A_6 = arith.addf %sqrt3A, %add3A_5 : vector<512x1xf32>
    %div3A = vector.broadcast %add3A_6 : vector<512x1xf32> to vector<512x128xf32>
    %div3A_7 = arith.divf %get3A_3, %div3A : vector<512x128xf32>
    %get3A_8 = arith.constant 0 : index
    %get3A_9 = arith.constant 0 : index
    %get3A_10 = vector.load %arg10[%get3A_8, %get3A_9] : memref<4096x128xf32, #tpu.memory_space<vmem>>, vector<4096x128xf32>
    %dot_general3A = arith.constant dense<0.000000e+00> : vector<512x4096xf32>
    %dot_general3A_11 = tpu.matmul %div3A_7, %get3A_10, %dot_general3A {dimension_numbers = #tpu.dot_dimension_numbers<[1], [1], [0], [0], [0, 0, 1, 0], [], []>, transpose_lhs_hint = false} : vector<512x128xf32>, vector<4096x128xf32>, vector<512x4096xf32> -> vector<512x4096xf32>
    %swap3A = arith.constant 0 : index
    %swap3A_12 = arith.constant 0 : index
    %swap3A_13 = vector.load %arg6[%swap3A, %swap3A_12] : memref<512x4096xf32, #tpu.memory_space<vmem>>, vector<512x4096xf32>
    tpu.vector_store %arg6[%swap3A, %swap3A_12], %dot_general3A_11 {strides = array<i32>} : memref<512x4096xf32, #tpu.memory_space<vmem>>, vector<512x4096xf32>,
    %argmax3A = tpu.reduce_index %dot_general3A_11 {axis = 1 : i32, kind = #tpu.reduction_kind<arg_max>} : vector<512x4096xf32> -> vector<512xi32>
    %reshape3A = vector.shape_cast %argmax3A : vector<512xi32> to vector<512x1xi32>
    %swap3A_14 = arith.constant 0 : index
    %swap3A_15 = arith.constant 0 : index
    %swap3A_16 = vector.load %arg8[%swap3A_14, %swap3A_15] : memref<512x1xi32, #tpu.memory_space<vmem>>, vector<512x1xi32>
    tpu.vector_store %arg8[%swap3A_14, %swap3A_15], %reshape3A {strides = array<i32>} : memref<512x1xi32, #tpu.memory_space<vmem>>, vector<512x1xi32>,
    %jit3A = arith.constant 64 : i32
    %div3A_17 = vector.broadcast %jit3A : i32 to vector<512x1xi32>
    %div3A_18 = arith.divsi %reshape3A, %div3A_17 : vector<512x1xi32>
    %sign3A = arith.constant 0 : i32
    %sign3A_19 = vector.broadcast %sign3A : i32 to vector<512x1xi32>
    %sign3A_20 = arith.cmpi sgt, %reshape3A, %sign3A_19 : vector<512x1xi32>
    %sign3A_21 = arith.extui %sign3A_20 : vector<512x1xi1> to vector<512x1xi32>
    %sign3A_22 = arith.constant 0 : i32
    %sign3A_23 = vector.broadcast %sign3A_22 : i32 to vector<512x1xi32>
    %sign3A_24 = arith.cmpi slt, %reshape3A, %sign3A_23 : vector<512x1xi32>
    %sign3A_25 = arith.extui %sign3A_24 : vector<512x1xi1> to vector<512x1xi32>
    %sign3A_26 = arith.subi %sign3A_21, %sign3A_25 : vector<512x1xi32>
    %sign3A_27 = arith.constant 0 : i32
    %sign3A_28 = arith.cmpi sgt, %jit3A, %sign3A_27 : i32
    %sign3A_29 = arith.extui %sign3A_28 : i1 to i32
    %sign3A_30 = arith.constant 0 : i32
    %sign3A_31 = arith.cmpi slt, %jit3A, %sign3A_30 : i32
    %sign3A_32 = arith.extui %sign3A_31 : i1 to i32
    %sign3A_33 = arith.subi %sign3A_29, %sign3A_32 : i32
    %ne3A = vector.broadcast %sign3A_33 : i32 to vector<512x1xi32>
    %ne3A_34 = arith.cmpi ne, %sign3A_26, %ne3A : vector<512x1xi32>
    %rem3A = vector.broadcast %jit3A : i32 to vector<512x1xi32>
    %rem3A_35 = arith.remsi %reshape3A, %rem3A : vector<512x1xi32>
    %ne3A_36 = arith.constant 0 : i32
    %ne3A_37 = vector.broadcast %ne3A_36 : i32 to vector<512x1xi32>
    %ne3A_38 = arith.cmpi ne, %rem3A_35, %ne3A_37 : vector<512x1xi32>
    %and3A = arith.andi %ne3A_34, %ne3A_38 : vector<512x1xi1>
    %sub3A = arith.constant 1 : i32
    %sub3A_39 = vector.broadcast %sub3A : i32 to vector<512x1xi32>
    %sub3A_40 = arith.subi %div3A_18, %sub3A_39 : vector<512x1xi32>
    %select_n3A = arith.select %and3A, %sub3A_40, %div3A_18 : vector<512x1xi1>, vector<512x1xi32>
    %jit3A_41 = arith.constant 64 : i32
    %eq3A_42 = arith.constant 0 : i32
    %eq3A_43 = arith.cmpi eq, %jit3A_41, %eq3A_42 : i32
    %jit3A_44 = arith.constant 1 : i32
    %select_n3A_45 = arith.select %eq3A_43, %jit3A_44, %jit3A_41 : i32
    %rem3A_46 = vector.broadcast %select_n3A_45 : i32 to vector<512x1xi32>
    %rem3A_47 = arith.remsi %reshape3A, %rem3A_46 : vector<512x1xi32>
    %ne3A_48 = arith.constant 0 : i32
    %ne3A_49 = vector.broadcast %ne3A_48 : i32 to vector<512x1xi32>
    %ne3A_50 = arith.cmpi ne, %rem3A_47, %ne3A_49 : vector<512x1xi32>
    %lt3A = arith.constant 0 : i32
    %lt3A_51 = vector.broadcast %lt3A : i32 to vector<512x1xi32>
    %lt3A_52 = arith.cmpi slt, %rem3A_47, %lt3A_51 : vector<512x1xi32>
    %lt3A_53 = arith.constant 0 : i32
    %lt3A_54 = arith.cmpi slt, %select_n3A_45, %lt3A_53 : i32
    %ne3A_55 = vector.broadcast %lt3A_54 : i1 to vector<512x1xi1>
    %ne3A_56 = vector.broadcast %ne3A_55 : vector<512x1xi1> to vector<512x1xi1>
    %ne3A_57 = arith.xori %lt3A_52, %ne3A_56 : vector<512x1xi1>
    %and3A_58 = arith.andi %ne3A_57, %ne3A_50 : vector<512x1xi1>
    %add3A_59 = vector.broadcast %select_n3A_45 : i32 to vector<512x1xi32>
    %add3A_60 = arith.addi %rem3A_47, %add3A_59 : vector<512x1xi32>
    %select_n3A_61 = arith.select %and3A_58, %add3A_60, %rem3A_47 : vector<512x1xi1>, vector<512x1xi32>
    %concatenate3A = tpu.concatenate %select_n3A, %select_n3A_61 in 1 : vector<512x1xi32>, vector<512x1xi32> -> vector<512x2xi32>
    %swap3A_62 = arith.constant 0 : index
    %swap3A_63 = arith.constant 0 : index
    %swap3A_64 = vector.load %arg7[%swap3A_62, %swap3A_63] : memref<512x2xi32, #tpu.memory_space<vmem>>, vector<512x2xi32>
    tpu.vector_store %arg7[%swap3A_62, %swap3A_63], %concatenate3A {strides = array<i32>} : memref<512x2xi32, #tpu.memory_space<vmem>>, vector<512x2xi32>,
    return
  }
  func.func @transform_0(%arg0: i32) -> (i32, i32) {
    %add3A = arith.constant 4 : i32
    %add3A_0 = arith.addi %arg0, %add3A : i32
    %c0_i32 = arith.constant 0 : i32
    %c0_i32_1 = arith.constant 0 : i32
    return %add3A_0, %c0_i32 : i32, i32
  }
  func.func @transform_1(%arg0: i32) -> (i32, i32) {
    %c0_i32 = arith.constant 0 : i32
    %c0_i32_0 = arith.constant 0 : i32
    %c0_i32_1 = arith.constant 0 : i32
    return %c0_i32, %c0_i32_0 : i32, i32
  }
  func.func @transform_2(%arg0: i32) -> (i32, i32) {
    %c0_i32 = arith.constant 0 : i32
    %c0_i32_0 = arith.constant 0 : i32
    %c0_i32_1 = arith.constant 0 : i32
    return %c0_i32, %c0_i32_0 : i32, i32
  }
  func.func @transform_5(%arg0: i32) -> (i32, i32) {
    %add3A = arith.constant 4 : i32
    %add3A_0 = arith.addi %arg0, %add3A : i32
    %c0_i32 = arith.constant 0 : i32
    %c0_i32_1 = arith.constant 0 : i32
    return %add3A_0, %c0_i32 : i32, i32
  }
  func.func @transform_6(%arg0: i32) -> (i32, i32) {
    %add3A = arith.constant 4 : i32
    %add3A_0 = arith.addi %arg0, %add3A : i32
    %c0_i32 = arith.constant 0 : i32
    %c0_i32_1 = arith.constant 0 : i32
    return %add3A_0, %c0_i32 : i32, i32
  }
  func.func @transform_7(%arg0: i32) -> (i32, i32) {
    %c0_i32 = arith.constant 0 : i32
    %c0_i32_0 = arith.constant 0 : i32
    return %arg0, %c0_i32 : i32, i32
  }
  func.func @transform_8(%arg0: i32) -> (i32, i32) {
    %c0_i32 = arith.constant 0 : i32
    %c0_i32_0 = arith.constant 0 : i32
    %c0_i32_1 = arith.constant 0 : i32
    return %c0_i32, %c0_i32_0 : i32, i32
  }
}

</mosaic_0001>

<sc_bundles>
// kernel: kernel.6.cloned.1.call-start
scs
__scs_entry_jumppad:
0x0: {  	(pc) =	sbr.rel $0x88, $3  }
0x1: {  	(tag) =	ssettag $0x0;
	lr =	simm.s32 $0x1  }
0x2: {  	[smem:$0x3F9E] =	sst lr;
	_ =	strace $0xD0000000  }
0x3: {  	_ = 	snop  }
0x4: {  	_ = 	snop  }
0x5: {  	_ = 	snop  }
0x6: {  	_ = 	snop  }
0x7: {  	_ = 	snop  }
__scs_overlays_trampoline_lowered:
0x8: {  	[smem:$0x3FAD] =	sst s0  }
0x9: {  	[smem:$0x3FAE] =	sst s1  }
0xa: {  	[smem:$0x3FAF] =	sst s2  }
0xb: {  	[smem:$0x3FB0] =	sst s3  }
0xc: {  	[smem:$0x3FB1] =	sst s4  }
0xd: {  	[smem:$0x3FB2] =	sst s5  }
0xe: {  	[smem:$0x3FB3] =	sst s6  }
0xf: {  	[smem:$0x3FB4] =	sst s7  }
0x10: {  	[smem:$0x3FB5] =	sst s8  }
0x11: {  	[smem:$0x3FB6] =	sst s9;
	s0 =	simm.s32 @!p0 $0x0  }
0x12: {  	s1 =	sld [smem:$0x3F9C];
	s0 =	simm.s32 @p0 $0x1  }
0x13: {  	[smem:$0x3FB7] =	sst s0;
	s0 =	simm.s32 @!p1 $0x0  }
0x14: {  	s2 =	sld [smem:$0x3F9B];
	s0 =	simm.s32 @p1 $0x1  }
0x15: {  	[smem:$0x3FB8] =	sst s0;
	s0 =	simm.s32 @!p2 $0x0  }
0x16: {  	s3 =	sld [smem:$0x3FDB];
	s0 =	simm.s32 @p2 $0x1  }
0x17: {  	s4 =	simm.s32 $0x1BF5;
	[smem:$0x3FBA] =	sst s0  }
0x18: {  	s0 =	sld [smem:$0x3F9D];
	_ =	swait.ge [sflag:s4], $0x0  }
0x19: {  	s7 =	sld [smem:$0x3F9E]  }
0x1a: {  	s8 =	sadd.s32 $0xFFFFE003, lr  }
0x1b: {  	s9 =	sadd.s32 $0xFFFFFEF7, lr;
	s5 =	simm.s32 $0xFFFFFFFF;
	p2 =	slt.u32 s8, $0xFFFFF086  }
0x1c: {  	p1 =	slt.u32 s9, $0xF7A;
	s5 =	simm.s32 @!p2 $0x0  }
0x1d: {  	s5 =	simm.s32 @p1 $0x1;
	p0 =	seq.s32 s7, s2  }
0x1e: {  	s7 =	smul.u32 @!p0 $0xF7A, s2;
	p2 =	seq.s32 @!p0 s5, $0x0  }
0x1f: {  	s9 =	smul.u32 $0xF7A, s1;
	s8 =	simm.s32 @!p0 $0x1BF5;
	p2 =	por !p2, p0  }
0x20: {  	[sflag:s8] =	ssyncset.s32 @!p0 $0xFFFFF086;
	s6 =	sadd.s32 @!p0 s3, s7;
	s7 =	simm.s32 @!p0 $0x108  }
0x21: {  	s3 =	sadd.s32 s3, s9;
	s6 =	sadd.s32 @!p0 $0x88, s6;
	s7 =	simm.s32 @p2 $0x1082  }
0x22: {  	[simem:s7], [sflag:s8] =	dma.local @!p0 [hbm:s6], $0xF7A  }
0x23: {  	s9 =	sor.u32 $0xD0000000, s2;
	s6 =	simm.s32 $0x108;
	_ =	swait.ge @!p0 [sflag:s8], $0x0  }
0x24: {  	s3 =	sadd.s32 $0x88, s3;
	s6 =	simm.s32 @!p1 $0x1082;
	[sflag:s4] =	ssyncset.s32 $0xFFFFF086  }
0x25: {  	[simem:s6], [sflag:s4] =	dma.local [hbm:s3], $0xF7A  }
0x26: {  	[smem:$0x3F9E] =	sst s1;
	(tag) =	ssettag s2;
	_ =	strace s9  }
0x27: {  	s1 =	sld [smem:$0x3FAE]  }
0x28: {  	s2 =	sld [smem:$0x3FAF]  }
0x29: {  	s4 =	sld [smem:$0x3FB1]  }
0x2a: {  	p0 =	seq.s32 s5, $0x0;
	s5 =	sld [smem:$0x3FB2]  }
0x2b: {  	s6 =	sld [smem:$0x3FB3]  }
0x2c: {  	s7 =	sld [smem:$0x3FB4]  }
0x2d: {  	s3 =	simm.s32 $0x108;
	s8 =	sld [smem:$0x3FB5]  }
0x2e: {  	s3 =	simm.s32 @!p0 $0x1082;
	s9 =	sld [smem:$0x3FB6]  }
0x2f: {  	lr =	sadd.s32 s0, s3;
	s0 =	sld [smem:$0x3FAD]  }
0x30: {  	s3 =	sld [smem:$0x3FB0]  }
0x31: {  	[smem:$0x3FB9] =	sst s10  }
0x32: {  	s10 =	sld [smem:$0x3FB7];
	_ =	sdelay $0x3  }
0x33: {  	p0 =	seq.s32 s10, $0x1;
	s10 =	sld [smem:$0x3FB9];
	_ =	sdelay $0x3  }
0x34: {  	[smem:$0x3FB9] =	sst s10  }
0x35: {  	s10 =	sld [smem:$0x3FB8];
	_ =	sdelay $0x3  }
0x36: {  	p1 =	seq.s32 s10, $0x1;
	s10 =	sld [smem:$0x3FB9];
	_ =	sdelay $0x3  }
0x37: {  	[smem:$0x3FB9] =	sst s10  }
0x38: {  	s10 =	sld [smem:$0x3FBA]  }
0x39: {  	_ = 	snop;
	(pc) =	sbr.ind lr, $3  }
0x3a: {  	_ = 	snop  }
0x3b: {  	_ = 	snop  }
0x3c: {  	p2 =	seq.s32 s10, $0x1;
	s10 =	sld [smem:$0x3FB9]  }
0x3d: {  	_ =	shalt  }
0x3e: {  	_ =	shalt  }
0x3f: {  	_ =	shalt  }
0x40: {  	_ =	shalt  }
0x41: {  	_ =	shalt  }
0x42: {  	_ =	shalt  }
0x43: {  	_ =	shalt  }
0x44: {  	_ =	shalt  }
0x45: {  	_ =	shalt  }
0x46: {  	_ =	shalt  }
0x47: {  	_ =	shalt  }
0x48: {  	_ =	shalt  }
0x49: {  	_ =	shalt  }
0x4a: {  	_ =	shalt  }
0x4b: {  	_ =	shalt  }
0x4c: {  	_ =	shalt  }
0x4d: {  	_ =	shalt  }
0x4e: {  	_ =	shalt  }
0x4f: {  	_ =	shalt  }
0x50: {  	_ =	shalt  }
0x51: {  	_ =	shalt  }
0x52: {  	_ =	shalt  }
0x53: {  	_ =	shalt  }
0x54: {  	_ =	shalt  }
0x55: {  	_ =	shalt  }
0x56: {  	_ =	shalt  }
0x57: {  	_ =	shalt  }
0x58: {  	_ =	shalt  }
0x59: {  	_ =	shalt  }
0x5a: {  	_ =	shalt  }
0x5b: {  	_ =	shalt  }
0x5c: {  	_ =	shalt  }
0x5d: {  	_ =	shalt  }
0x5e: {  	_ =	shalt  }
0x5f: {  	_ =	shalt  }
0x60: {  	_ =	shalt  }
0x61: {  	_ =	shalt  }
0x62: {  	_ =	shalt  }
0x63: {  	_ =	shalt  }
0x64: {  	_ =	shalt  }
0x65: {  	_ =	shalt  }
0x66: {  	_ =	shalt  }
0x67: {  	_ =	shalt  }
0x68: {  	_ =	shalt  }
0x69: {  	_ =	shalt  }
0x6a: {  	_ =	shalt  }
0x6b: {  	_ =	shalt  }
0x6c: {  	_ =	shalt  }
0x6d: {  	_ =	shalt  }
0x6e: {  	_ =	shalt  }
0x6f: {  	_ =	shalt  }
0x70: {  	_ =	shalt  }
0x71: {  	_ =	shalt  }
0x72: {  	_ =	shalt  }
0x73: {  	_ =	shalt  }
0x74: {  	_ =	shalt  }
0x75: {  	_ =	shalt  }
0x76: {  	_ =	shalt  }
0x77: {  	_ =	shalt  }
0x78: {  	_ =	shalt  }
0x79: {  	_ =	shalt  }
0x7a: {  	_ =	shalt  }
0x7b: {  	_ =	shalt  }
0x7c: {  	_ =	shalt  }
0x7d: {  	_ =	shalt  }
0x7e: {  	_ =	shalt  }
0x7f: {  	_ =	shalt  }
0x80: {  	_ =	shalt  }
0x81: {  	_ =	shalt  }
0x82: {  	_ =	shalt  }
0x83: {  	_ =	shalt  }
0x84: {  	_ =	shalt  }
0x85: {  	_ =	shalt  }
0x86: {  	_ =	shalt  }
0x87: {  	_ =	shalt  }
.Lfunc_end0:
.L_simem_size_0:
called_computation_lowered:
.L_overlay_start_0:
0x88: {  	s2 =	sld [smem:$0x3FD9]  }
0x89: {  	s3 =	sld [smem:$0x3FFE];
	_ =	sdelay $0x1  }
0x8a: {  	s1 =	srdreg.scid  }
0x8b: {  	s0 =	sand.u32 $0x1, s1  }
0x8c: {  	s17 =	sshll.u32 s0, $0xA;
	s2 =	sadd.s32 s3, s2  }
0x8d: {  	s2 =	sadd.s32 s2, s17  }
0x8e: {  	[smem:$0x3FC5] =	sst s2  }
0x8f: {  	_ = 	snop  }
0x90: {  	(tm) =	ssettm $0x1  }
0x91: {  	s18 =	sld [smem:$0x3FFB];
	_ =	sdelay $0x3  }
0x92: {  	_ =	strace s18  }
0x93: {  	s2 =	sld [smem:$0x3FFC];
	_ =	sdelay $0x3  }
0x94: {  	_ =	strace s2  }
0x95: {  	s2 =	sld [smem:$0x3FFD];
	_ =	sdelay $0x3  }
0x96: {  	_ =	strace s2  }
0x97: {  	_ =	strace $0x8FFFFFFF  }
0x98: {  	s19 =	sld [smem:$0x3FDB];
	_ =	sdelay $0x1  }
0x99: {  	s20 =	simm.s32 $_scs_section_size  }
0x9a: {  	s4 =	simm.s32 $_size__tile_overlayer_lowered;
	s5 =	simm.s32 $_tile_overlayer_lowered  }
0x9b: {  	s6 =	simm.s32 $0x1BFF;
	s21 =	sshll.u32 s5, $0x1;
	s3 =	sadd.s32 s20, s19  }
0x9c: {  	s22 =	simm.s32 $0x0;
	s4 =	sshll.u32 s4, $0x1;
	s5 =	sadd.s32 s21, s3  }
0x9d: {  	[timem:s22], [sflag:s6] =	dma.local [hbm:s5], s4  }
0x9e: {  	_ =	swait.ge [sflag:s6], s4  }
0x9f: {  	s4 =	ssub.s32 $0x0, s4;
	[sflag:s6] =	ssyncset.done $0x0  }
0xa0: {  	[sflag:s6] =	ssyncadd.s32 s4;
	_ =	sdelay $0x1  }
0xa1: {  	s23 =	simm.s32 $0x1B8B  }
0xa2: {  	_ =	swait.ge [sflag:s23], $0x1  }
0xa3: {  	[sflag:s23] =	ssyncset.done $0x0  }
0xa4: {  	[sflag:s23] =	ssyncadd.s32 $0xFFFFFFFF  }
0xa5: {  	s4 =	sld [smem:$0x0]  }
0xa6: {  	s5 =	sand.u32 $0xFFFFFFFE, s1  }
0xa7: {  	p0 =	sne.s32 s1, s5  }
0xa8: {  	s5 =	sshll.u32 @p0 s5, $0xE  }
0xa9: {  	s5 =	sadd.s32 @p0 $0x11B8D, s5;
	s6 =	sshll.u32 @p0 s4, $0x11  }
0xaa: {  	s5 =	sor.u32 @p0 s6, s5  }
0xab: {  	[sflag:s5] =	ssyncadd.remote.s32 @p0 $0x1;
	_ =	sdelay $0x1  }
0xac: {  	s5 =	simm.s32 @p0 $0x1B8D  }
0xad: {  	_ =	swait.eq @p0 [sflag:s5], $0x1  }
0xae: {  	[sflag:s5] =	ssyncadd.s32 @p0 $0xFFFFFFFF  }
0xaf: {  	s6 =	sshll.u32 @!p0 s1, $0xE  }
0xb0: {  	s6 =	sor.u32 @!p0 $0x4000, s6;
	s5 =	simm.s32 @!p0 $0x1B8D  }
0xb1: {  	s4 =	sshll.u32 @!p0 s4, $0x11;
	s6 =	sadd.s32 @!p0 $0x11B8D, s6;
	_ =	swait.eq @!p0 [sflag:s5], $0x1  }
0xb2: {  	s4 =	sor.u32 @!p0 s4, s6;
	[sflag:s5] =	ssyncadd.s32 @!p0 $0xFFFFFFFF  }
0xb3: {  	s25 =	simm.s32 $0x1B8E;
	s24 =	sld [smem:$0x3FFE];
	[sflag:s4] =	ssyncadd.remote.s32 @!p0 $0x1  }
0xb4: {  	s26 =	simm.s32 $execute0_lowered;
	[smem:$0x3FD2] =	sst s25  }
0xb5: {  	s5 =	sshll.u32 s26, $0x1;
	_ =	strace $0x80000049;
	[dreg:$0x1] =	wrdreg $0xFFFFFFFF  }
0xb6: {  	s28 =	simm.s32 $_size_execute0_lowered;
	s3 =	sadd.s32 s3, s5;
	[dreg:$0x0] =	wrdreg $0x0  }
0xb7: {  	s5 =	sshll.u32 s28, $0x1;
	[dreg:$0x2] =	wrdreg s3  }
0xb8: {  	[dreg:$0x3] =	wrdreg s5  }
0xb9: {  	[dreg:$0x4] =	wrdreg $0xC0  }
0xba: {  	_ =	task [dreg:s22], $0x5FFFF  }
0xbb: {  	[dreg:$0x1] =	wrdreg $0xFFFFFFFF  }
0xbc: {  	[dreg:$0x0] =	wrdreg $0x60  }
0xbd: {  	[dreg:$0x2] =	wrdreg s24  }
0xbe: {  	[dreg:$0x3] =	wrdreg $0x9  }
0xbf: {  	_ =	task.clear_ibuf [dreg:s22], $0x4FFFF;
	_ =	strace $0x90000049  }
0xc0: {  	s29 =	simm.s32 $0x9;
	_ =	strace $0x8000004B  }
0xc1: {  	_ =	swait.ge [sflag:s29], $0x1  }
0xc2: {  	[sflag:s29] =	ssyncadd.s32 $0xFFFFFFFF  }
0xc3: {  	_ =	strace $0x9000004B  }
0xc4: {  	_ =	sfence  }
0xc5: {  	s30 =	sld [smem:$0x0];
	_ =	sdelay $0x2  }
0xc6: {  	s31 =	sshll.u32 s1, $0xD;
	s1 =	sshrl.u32 s1, $0x2  }
0xc7: {  	s4 =	sand.u32 $0x4000, s31;
	s1 =	sadd.s32 s1, s30  }
0xc8: {  	s0 =	sor.u32 s4, s0;
	s1 =	sshll.u32 s1, $0x11  }
0xc9: {  	s0 =	sor.u32 s1, s0  }
0xca: {  	s0 =	sadd.s32 $0x8F2B, s0  }
0xcb: {  	[sflag:s0] =	ssyncadd.remote.s32 $0x1  }
0xcc: {  	_ =	sfence.sel $0xFFFF  }
0xcd: {  	[dreg:$0x0] =	wrdreg $0xFFFFFFFF;
	(pc) =	sbr.abs _section_cstart, $3  }
0xce: {  	[dreg:$0x1] =	wrdreg $0xFFFFFFFF  }
0xcf: {  	_ =	task.clear_ibuf [dreg:s22], $0x2FFFF;
	_ =	strace $0x9FFFFFFF  }
0xd0: {  	(tm) =	ssettm $0x7FFFFFFF  }
0xd1: {  	_ =	shalt  }
tec
execute0_lowered:
.L_overlay_start_1:
0x0: {  	(tag) =	ssettag $0x1  }
0x1: {  	s1 =	srdreg.scid  }
0x2: {  	s0 =	stileid.u32;
	s9 =	rddreg [dreg:$0x0];
	s6 =	sand.u32 $0x1, s1  }
0x3: {  	s7 =	simm.s32 $0x80;
	s30 =	sshll.u32 s0, $0x7;
	s2 =	sshll.u32 s6, $0x6  }
0x4: {  	s8 =	simm.s32 $0x1;
	s1 =	rddreg [dreg:$0x1];
	s10 =	sor.u32 s2, s30  }
0x5: {  	s5 =	sadd.s32 $0x800, s9;
	s2 =	simm.s32 $0x0;
	s3 =	sshrl.u32 s10, $0x3  }
0x6: {  	s11 =	ssub.s32 $0x2, s6;
	[smem:$0x7FF] =	sst s2;
	s3 =	sadd.s32 s3, s9  }
0x7: {  	_ =	strace $0x8000004A;
	s4 =	sadd.s32 $0x18800, s3;
	s3 =	simm.s32 $0x2  }
0x8: {  	[tilespmem:s2], [sflag:$0x2] =	stream.linear.gather [hbm4b:s4+s2], $0x40, $0x38;
	[tilespmem:$0x2080] =	vst v63  }
0x9: {  	s6 =	simm.s32 $0x40;
	s12 =	sshrl.u32 s11, $0x1;
	_ =	swait.ge [sflag:s3], $0x40  }
0xa: {  	s10 =	sshll.u32 s10, $0x4;
	s31 =	ssub.s32 s11, s12;
	[sflag:s3] =	ssyncset.done $0x0  }
0xb: {  	s9 =	sadd.s32 s10, s9;
	s10 =	smax.u32 s31, $0x1;
	[sflag:s3] =	ssyncadd.s32 $0xFFFFFFC0  }
0xc: {  	[tilespmem:s7], [sflag:$0x1] =	stream.indirect.gather [hbm4b:s5+s6], $0x80, s2, s6, $0xb8;
	[tilespmem:$0x2080] =	vst v63  }
0xd: {  	p0 =	sne.s32 s10, $0x1;
	_ =	swait.ge [sflag:s8], $0x2000  }
.Ltmp0:
0xe: {  	[sflag:s8] =	ssyncset.done $0x0;
	(pc) =	sbr.rel @!p0 .LBB2_2-.Ltmp0, $4  }
0xf: {  	s9 =	sadd.s32 $0x18A00, s9;
	[sflag:s8] =	ssyncadd.s32 $0xFFFFE000  }
0x10: {  	[hbm4b:s9+s2] =	stream.linear.scatter [tilespmem:s7], [sflag:$0x2], $0x2000, $0x38;
	[tilespmem:$0x2080] =	vst v63  }
0x11: {  	_ =	swait.ge [sflag:s3], $0x2000  }
0x12: {  	s10 =	sadd.s32 $0xFFFFFFFF, s10;
	[sflag:s3] =	ssyncset.done $0x0  }
.LBB2_1:
0x13: {  	p0 =	sne.s32 s10, $0x1;
	s10 =	sadd.s32 $0xFFFFFFFF, s10;
	[sflag:s3] =	ssyncadd.s32 $0xFFFFE000  }
0x14: {  	[tilespmem:s2], [sflag:$0x2] =	stream.linear.gather [hbm4b:s4+s2], $0x40, $0x38;
	[tilespmem:$0x2080] =	vst v63  }
0x15: {  	_ =	swait.ge [sflag:s3], $0x40  }
0x16: {  	[sflag:s3] =	ssyncset.done $0x0  }
0x17: {  	[sflag:s3] =	ssyncadd.s32 $0xFFFFFFC0  }
0x18: {  	[tilespmem:s7], [sflag:$0x1] =	stream.indirect.gather [hbm4b:s5+s6], $0x80, s2, s6, $0xb8;
	[tilespmem:$0x2080] =	vst v63  }
0x19: {  	_ =	swait.ge [sflag:s8], $0x2000  }
.Ltmp1:
0x1a: {  	[sflag:s8] =	ssyncset.done $0x0;
	(pc) =	sbr.rel @p0 .LBB2_1-.Ltmp1, $4  }
0x1b: {  	[sflag:s8] =	ssyncadd.s32 $0xFFFFE000  }
0x1c: {  	[hbm4b:s9+s2] =	stream.linear.scatter [tilespmem:s7], [sflag:$0x2], $0x2000, $0x38;
	[tilespmem:$0x2080] =	vst v63  }
0x1d: {  	_ =	swait.ge [sflag:s3], $0x2000  }
0x1e: {  	[sflag:s3] =	ssyncset.done $0x0  }
.LBB2_2:
0x1f: {  	[sflag:s3] =	ssyncadd.s32 $0xFFFFE000  }
0x20: {  	_ =	sfence.sel $0x180000  }
0x21: {  	[bflag:$0x0] =	sbarrier.arrive $0xFFFF  }
0x22: {  	p0 =	sne.s32 s0, $0x0;
	_ =	strace $0x9000004A  }
0x23: {  	s0 =	sadd.s32 @!p0 $0x100000, s1;
	[bflag:$0x2] =	sbarrier.arrive $0xFFFF  }
0x24: {  	[sflag:s0] =	ssyncadd.tile.s32 @!p0 $0x1;
	_ =	shalt  }
.Lfunc_end2:
_tile_overlayer_lowered:
.L_overlay_start_2:
0x25: {  	(tag) =	ssettag $0x2  }
0x26: {  	s0 =	rddreg [dreg:$0x0];
	s2 =	stileid.u32  }
0x27: {  	s1 =	rddreg [dreg:$0x1];
	p0 =	sne.s32 s2, $0x0  }
0x28: {  	s3 =	rddreg [dreg:$0x2];
	[bflag:$0x3] =	sbarrier.arrive $0xFFFF;
	s2 =	simm.s32 @!p0 $0x1C02  }
0x29: {  	[timem:s3], [sflag:s2] =	dma.local @!p0 [hbm:s0], s1  }
0x2a: {  	s0 =	simm.s32 @!p0 $0x2  }
0x2b: {  	_ =	swait.ge @!p0 [sflag:s0], s1  }
0x2c: {  	s1 =	ssub.s32 @!p0 $0x0, s1;
	[sflag:s0] =	ssyncset.done @!p0 $0x0  }
0x2d: {  	[sflag:s0] =	ssyncadd.s32 @!p0 s1  }
0x2e: {  	[bflag:$0x3] =	sbarrier.arrive $0xFFFF  }
0x2f: {  	_ =	shalt  }

// kernel: kernel.9.cloned.1.call-start
scs
__scs_entry_jumppad:
0x0: {  	(pc) =	sbr.rel $0x88, $3  }
0x1: {  	(tag) =	ssettag $0x0;
	lr =	simm.s32 $0x1  }
0x2: {  	[smem:$0x3F9E] =	sst lr;
	_ =	strace $0xD0000000  }
0x3: {  	_ = 	snop  }
0x4: {  	_ = 	snop  }
0x5: {  	_ = 	snop  }
0x6: {  	_ = 	snop  }
0x7: {  	_ = 	snop  }
__scs_overlays_trampoline_lowered:
0x8: {  	[smem:$0x3FAD] =	sst s0  }
0x9: {  	[smem:$0x3FAE] =	sst s1  }
0xa: {  	[smem:$0x3FAF] =	sst s2  }
0xb: {  	[smem:$0x3FB0] =	sst s3  }
0xc: {  	[smem:$0x3FB1] =	sst s4  }
0xd: {  	[smem:$0x3FB2] =	sst s5  }
0xe: {  	[smem:$0x3FB3] =	sst s6  }
0xf: {  	[smem:$0x3FB4] =	sst s7  }
0x10: {  	[smem:$0x3FB5] =	sst s8  }
0x11: {  	[smem:$0x3FB6] =	sst s9;
	s0 =	simm.s32 @!p0 $0x0  }
0x12: {  	s1 =	sld [smem:$0x3F9C];
	s0 =	simm.s32 @p0 $0x1  }
0x13: {  	[smem:$0x3FB7] =	sst s0;
	s0 =	simm.s32 @!p1 $0x0  }
0x14: {  	s2 =	sld [smem:$0x3F9B];
	s0 =	simm.s32 @p1 $0x1  }
0x15: {  	[smem:$0x3FB8] =	sst s0;
	s0 =	simm.s32 @!p2 $0x0  }
0x16: {  	s3 =	sld [smem:$0x3FDB];
	s0 =	simm.s32 @p2 $0x1  }
0x17: {  	s4 =	simm.s32 $0x1BF5;
	[smem:$0x3FBA] =	sst s0  }
0x18: {  	s0 =	sld [smem:$0x3F9D];
	_ =	swait.ge [sflag:s4], $0x0  }
0x19: {  	s7 =	sld [smem:$0x3F9E]  }
0x1a: {  	s8 =	sadd.s32 $0xFFFFE003, lr  }
0x1b: {  	s9 =	sadd.s32 $0xFFFFFEF7, lr;
	s5 =	simm.s32 $0xFFFFFFFF;
	p2 =	slt.u32 s8, $0xFFFFF086  }
0x1c: {  	p1 =	slt.u32 s9, $0xF7A;
	s5 =	simm.s32 @!p2 $0x0  }
0x1d: {  	s5 =	simm.s32 @p1 $0x1;
	p0 =	seq.s32 s7, s2  }
0x1e: {  	s7 =	smul.u32 @!p0 $0xF7A, s2;
	p2 =	seq.s32 @!p0 s5, $0x0  }
0x1f: {  	s9 =	smul.u32 $0xF7A, s1;
	s8 =	simm.s32 @!p0 $0x1BF5;
	p2 =	por !p2, p0  }
0x20: {  	[sflag:s8] =	ssyncset.s32 @!p0 $0xFFFFF086;
	s6 =	sadd.s32 @!p0 s3, s7;
	s7 =	simm.s32 @!p0 $0x108  }
0x21: {  	s3 =	sadd.s32 s3, s9;
	s6 =	sadd.s32 @!p0 $0x88, s6;
	s7 =	simm.s32 @p2 $0x1082  }
0x22: {  	[simem:s7], [sflag:s8] =	dma.local @!p0 [hbm:s6], $0xF7A  }
0x23: {  	s9 =	sor.u32 $0xD0000000, s2;
	s6 =	simm.s32 $0x108;
	_ =	swait.ge @!p0 [sflag:s8], $0x0  }
0x24: {  	s3 =	sadd.s32 $0x88, s3;
	s6 =	simm.s32 @!p1 $0x1082;
	[sflag:s4] =	ssyncset.s32 $0xFFFFF086  }
0x25: {  	[simem:s6], [sflag:s4] =	dma.local [hbm:s3], $0xF7A  }
0x26: {  	[smem:$0x3F9E] =	sst s1;
	(tag) =	ssettag s2;
	_ =	strace s9  }
0x27: {  	s1 =	sld [smem:$0x3FAE]  }
0x28: {  	s2 =	sld [smem:$0x3FAF]  }
0x29: {  	s4 =	sld [smem:$0x3FB1]  }
0x2a: {  	p0 =	seq.s32 s5, $0x0;
	s5 =	sld [smem:$0x3FB2]  }
0x2b: {  	s6 =	sld [smem:$0x3FB3]  }
0x2c: {  	s7 =	sld [smem:$0x3FB4]  }
0x2d: {  	s3 =	simm.s32 $0x108;
	s8 =	sld [smem:$0x3FB5]  }
0x2e: {  	s3 =	simm.s32 @!p0 $0x1082;
	s9 =	sld [smem:$0x3FB6]  }
0x2f: {  	lr =	sadd.s32 s0, s3;
	s0 =	sld [smem:$0x3FAD]  }
0x30: {  	s3 =	sld [smem:$0x3FB0]  }
0x31: {  	[smem:$0x3FB9] =	sst s10  }
0x32: {  	s10 =	sld [smem:$0x3FB7];
	_ =	sdelay $0x3  }
0x33: {  	p0 =	seq.s32 s10, $0x1;
	s10 =	sld [smem:$0x3FB9];
	_ =	sdelay $0x3  }
0x34: {  	[smem:$0x3FB9] =	sst s10  }
0x35: {  	s10 =	sld [smem:$0x3FB8];
	_ =	sdelay $0x3  }
0x36: {  	p1 =	seq.s32 s10, $0x1;
	s10 =	sld [smem:$0x3FB9];
	_ =	sdelay $0x3  }
0x37: {  	[smem:$0x3FB9] =	sst s10  }
0x38: {  	s10 =	sld [smem:$0x3FBA]  }
0x39: {  	_ = 	snop;
	(pc) =	sbr.ind lr, $3  }
0x3a: {  	_ = 	snop  }
0x3b: {  	_ = 	snop  }
0x3c: {  	p2 =	seq.s32 s10, $0x1;
	s10 =	sld [smem:$0x3FB9]  }
0x3d: {  	_ =	shalt  }
0x3e: {  	_ =	shalt  }
0x3f: {  	_ =	shalt  }
0x40: {  	_ =	shalt  }
0x41: {  	_ =	shalt  }
0x42: {  	_ =	shalt  }
0x43: {  	_ =	shalt  }
0x44: {  	_ =	shalt  }
0x45: {  	_ =	shalt  }
0x46: {  	_ =	shalt  }
0x47: {  	_ =	shalt  }
0x48: {  	_ =	shalt  }
0x49: {  	_ =	shalt  }
0x4a: {  	_ =	shalt  }
0x4b: {  	_ =	shalt  }
0x4c: {  	_ =	shalt  }
0x4d: {  	_ =	shalt  }
0x4e: {  	_ =	shalt  }
0x4f: {  	_ =	shalt  }
0x50: {  	_ =	shalt  }
0x51: {  	_ =	shalt  }
0x52: {  	_ =	shalt  }
0x53: {  	_ =	shalt  }
0x54: {  	_ =	shalt  }
0x55: {  	_ =	shalt  }
0x56: {  	_ =	shalt  }
0x57: {  	_ =	shalt  }
0x58: {  	_ =	shalt  }
0x59: {  	_ =	shalt  }
0x5a: {  	_ =	shalt  }
0x5b: {  	_ =	shalt  }
0x5c: {  	_ =	shalt  }
0x5d: {  	_ =	shalt  }
0x5e: {  	_ =	shalt  }
0x5f: {  	_ =	shalt  }
0x60: {  	_ =	shalt  }
0x61: {  	_ =	shalt  }
0x62: {  	_ =	shalt  }
0x63: {  	_ =	shalt  }
0x64: {  	_ =	shalt  }
0x65: {  	_ =	shalt  }
0x66: {  	_ =	shalt  }
0x67: {  	_ =	shalt  }
0x68: {  	_ =	shalt  }
0x69: {  	_ =	shalt  }
0x6a: {  	_ =	shalt  }
0x6b: {  	_ =	shalt  }
0x6c: {  	_ =	shalt  }
0x6d: {  	_ =	shalt  }
0x6e: {  	_ =	shalt  }
0x6f: {  	_ =	shalt  }
0x70: {  	_ =	shalt  }
0x71: {  	_ =	shalt  }
0x72: {  	_ =	shalt  }
0x73: {  	_ =	shalt  }
0x74: {  	_ =	shalt  }
0x75: {  	_ =	shalt  }
0x76: {  	_ =	shalt  }
0x77: {  	_ =	shalt  }
0x78: {  	_ =	shalt  }
0x79: {  	_ =	shalt  }
0x7a: {  	_ =	shalt  }
0x7b: {  	_ =	shalt  }
0x7c: {  	_ =	shalt  }
0x7d: {  	_ =	shalt  }
0x7e: {  	_ =	shalt  }
0x7f: {  	_ =	shalt  }
0x80: {  	_ =	shalt  }
0x81: {  	_ =	shalt  }
0x82: {  	_ =	shalt  }
0x83: {  	_ =	shalt  }
0x84: {  	_ =	shalt  }
0x85: {  	_ =	shalt  }
0x86: {  	_ =	shalt  }
0x87: {  	_ =	shalt  }
.Lfunc_end0:
.L_simem_size_0:
called_computation.1_lowered:
.L_overlay_start_0:
0x88: {  	s2 =	sld [smem:$0x3FD9]  }
0x89: {  	s3 =	sld [smem:$0x3FFE];
	_ =	sdelay $0x1  }
0x8a: {  	s1 =	srdreg.scid  }
0x8b: {  	s0 =	sand.u32 $0x1, s1  }
0x8c: {  	s14 =	sshll.u32 s0, $0xA;
	s2 =	sadd.s32 s3, s2  }
0x8d: {  	s2 =	sadd.s32 s2, s14  }
0x8e: {  	[smem:$0x3FC5] =	sst s2  }
0x8f: {  	_ = 	snop  }
0x90: {  	s2 =	sld [smem:$0x3FD0];
	_ =	sdelay $0x2  }
0x91: {  	s15 =	simm.s32 $0xB;
	s4 =	simm.s32 $0x10  }
0x92: {  	[smem:s4], [sflag:s15] =	dma.local [hbm:s2], $0x1  }
0x93: {  	_ =	swait.eq [sflag:s15], $0x1  }
0x94: {  	[sflag:s15] =	ssyncset.done $0x0  }
0x95: {  	[sflag:s15] =	ssyncadd.s32 $0xFFFFFFFF  }
0x96: {  	s16 =	sld [smem:$0x12];
	(tm) =	ssettm $0x1  }
0x97: {  	s17 =	sld [smem:$0x3FFB];
	_ =	sdelay $0x3  }
0x98: {  	_ =	strace s17  }
0x99: {  	s3 =	sld [smem:$0x3FFC];
	_ =	sdelay $0x3  }
0x9a: {  	_ =	strace s3  }
0x9b: {  	s3 =	sld [smem:$0x3FFD];
	_ =	sdelay $0x3  }
0x9c: {  	_ =	strace s3  }
0x9d: {  	_ =	strace $0x8FFFFFFF  }
0x9e: {  	s18 =	sld [smem:$0x3FDB];
	_ =	sdelay $0x1  }
0x9f: {  	s19 =	simm.s32 $_scs_section_size  }
0xa0: {  	s5 =	simm.s32 $_size__tile_overlayer_lowered;
	s6 =	simm.s32 $_tile_overlayer_lowered  }
0xa1: {  	s22 =	simm.s32 $0x1BFF;
	s21 =	sshll.u32 s6, $0x1;
	s3 =	sadd.s32 s19, s18  }
0xa2: {  	s7 =	simm.s32 $0x0;
	s20 =	sshll.u32 s5, $0x1;
	s5 =	sadd.s32 s21, s3  }
0xa3: {  	[timem:s7], [sflag:s22] =	dma.local [hbm:s5], s20  }
0xa4: {  	_ =	swait.ge [sflag:s22], s20  }
0xa5: {  	s4 =	ssub.s32 $0x0, s20;
	[sflag:s22] =	ssyncset.done $0x0  }
0xa6: {  	[sflag:s22] =	ssyncadd.s32 s4;
	_ =	sdelay $0x1  }
0xa7: {  	s23 =	simm.s32 $0x1B8B  }
0xa8: {  	_ =	swait.ge [sflag:s23], $0x1  }
0xa9: {  	[sflag:s23] =	ssyncset.done $0x0  }
0xaa: {  	s25 =	simm.s32 $0x1B8E;
	s24 =	sld [smem:$0x3FFE];
	[sflag:s23] =	ssyncadd.s32 $0xFFFFFFFF  }
0xab: {  	s26 =	simm.s32 $execute0_lowered;
	[smem:$0x3FD2] =	sst s25  }
0xac: {  	s5 =	sshll.u32 s26, $0x1;
	_ =	strace $0x80000046;
	[dreg:$0x1] =	wrdreg $0xFFFFFFFF  }
0xad: {  	s28 =	simm.s32 $_size_execute0_lowered;
	s3 =	sadd.s32 s3, s5;
	[dreg:$0x0] =	wrdreg $0x0  }
0xae: {  	s5 =	sshll.u32 s28, $0x1;
	[dreg:$0x2] =	wrdreg s3  }
0xaf: {  	[dreg:$0x3] =	wrdreg s5  }
0xb0: {  	[dreg:$0x4] =	wrdreg $0xC0  }
0xb1: {  	_ =	task [dreg:s7], $0x5FFFF  }
0xb2: {  	[dreg:$0x1] =	wrdreg $0xFFFFFFFF  }
0xb3: {  	[dreg:$0x0] =	wrdreg $0x60  }
0xb4: {  	[dreg:$0x2] =	wrdreg s24  }
0xb5: {  	[dreg:$0x3] =	wrdreg s16  }
0xb6: {  	[dreg:$0x4] =	wrdreg $0xA  }
0xb7: {  	_ =	task.clear_ibuf [dreg:s7], $0x5FFFF;
	_ =	strace $0x90000046  }
0xb8: {  	s29 =	simm.s32 $0xA;
	_ =	strace $0x80000048  }
0xb9: {  	_ =	swait.ge [sflag:s29], $0x1  }
0xba: {  	[sflag:s29] =	ssyncadd.s32 $0xFFFFFFFF  }
0xbb: {  	_ =	strace $0x90000048  }
0xbc: {  	_ =	sfence  }
0xbd: {  	s30 =	sld [smem:$0x0];
	_ =	sdelay $0x2  }
0xbe: {  	s31 =	sshll.u32 s1, $0xD;
	s1 =	sshrl.u32 s1, $0x2  }
0xbf: {  	s3 =	sand.u32 $0x4000, s31;
	s1 =	sadd.s32 s1, s30  }
0xc0: {  	s0 =	sor.u32 s3, s0;
	s1 =	sshll.u32 s1, $0x11  }
0xc1: {  	s0 =	sor.u32 s1, s0  }
0xc2: {  	s0 =	sadd.s32 $0x8F2B, s0  }
0xc3: {  	[sflag:s0] =	ssyncadd.remote.s32 $0x1  }
0xc4: {  	_ =	sfence.sel $0xFFFF  }
0xc5: {  	[dreg:$0x0] =	wrdreg $0xFFFFFFFF;
	(pc) =	sbr.abs _section_cstart, $3  }
0xc6: {  	[dreg:$0x1] =	wrdreg $0xFFFFFFFF  }
0xc7: {  	_ =	task.clear_ibuf [dreg:s7], $0x2FFFF;
	_ =	strace $0x9FFFFFFF  }
0xc8: {  	(tm) =	ssettm $0x7FFFFFFF  }
0xc9: {  	_ =	shalt  }
tec
execute0_lowered:
.L_overlay_start_1:
0x0: {  	(tag) =	ssettag $0x1  }
0x1: {  	s1 =	srdreg.scid;
	s9 =	rddreg [dreg:$0x0]  }
0x2: {  	s0 =	stileid.u32;
	s3 =	rddreg [dreg:$0x1]  }
0x3: {  	s2 =	simm.s32 $0x0;
	s7 =	simm.s32 $0x80;
	s6 =	sand.u32 $0x1, s1  }
0x4: {  	s4 =	sshll.u32 s0, $0x7;
	s1 =	rddreg [dreg:$0x2];
	s5 =	sshll.u32 s6, $0x6  }
0x5: {  	s8 =	simm.s32 $0x1;
	[smem:$0x7FF] =	sst s2;
	s10 =	sor.u32 s5, s4  }
0x6: {  	_ =	strace $0x80000047;
	s11 =	ssub.s32 $0x2, s6;
	s4 =	sshrl.u32 s10, $0x3  }
0x7: {  	s6 =	simm.s32 $0x40;
	s4 =	sadd.s32 s3, s4;
	s3 =	simm.s32 $0x2  }
0x8: {  	[tilespmem:s2], [sflag:$0x2] =	stream.linear.gather [hbm4b:s4+s2], $0x40, $0x38;
	[tilespmem:$0x2080] =	vst v63  }
0x9: {  	s5 =	sadd.s32 $0x800, s9;
	s12 =	sshrl.u32 s11, $0x1;
	_ =	swait.ge [sflag:s3], $0x40  }
0xa: {  	s10 =	sshll.u32 s10, $0x4;
	s31 =	ssub.s32 s11, s12;
	[sflag:s3] =	ssyncset.done $0x0  }
0xb: {  	s9 =	sadd.s32 s10, s9;
	s10 =	smax.u32 s31, $0x1;
	[sflag:s3] =	ssyncadd.s32 $0xFFFFFFC0  }
0xc: {  	[tilespmem:s7], [sflag:$0x1] =	stream.indirect.gather [hbm4b:s5+s6], $0x80, s2, s6, $0xb8;
	[tilespmem:$0x2080] =	vst v63  }
0xd: {  	p0 =	sne.s32 s10, $0x1;
	_ =	swait.ge [sflag:s8], $0x2000  }
.Ltmp0:
0xe: {  	[sflag:s8] =	ssyncset.done $0x0;
	(pc) =	sbr.rel @!p0 .LBB2_2-.Ltmp0, $4  }
0xf: {  	s9 =	sadd.s32 $0x10800, s9;
	[sflag:s8] =	ssyncadd.s32 $0xFFFFE000  }
0x10: {  	[hbm4b:s9+s2] =	stream.linear.scatter [tilespmem:s7], [sflag:$0x2], $0x2000, $0x38;
	[tilespmem:$0x2080] =	vst v63  }
0x11: {  	_ =	swait.ge [sflag:s3], $0x2000  }
0x12: {  	s10 =	sadd.s32 $0xFFFFFFFF, s10;
	[sflag:s3] =	ssyncset.done $0x0  }
.LBB2_1:
0x13: {  	p0 =	sne.s32 s10, $0x1;
	s10 =	sadd.s32 $0xFFFFFFFF, s10;
	[sflag:s3] =	ssyncadd.s32 $0xFFFFE000  }
0x14: {  	[tilespmem:s2], [sflag:$0x2] =	stream.linear.gather [hbm4b:s4+s2], $0x40, $0x38;
	[tilespmem:$0x2080] =	vst v63  }
0x15: {  	_ =	swait.ge [sflag:s3], $0x40  }
0x16: {  	[sflag:s3] =	ssyncset.done $0x0  }
0x17: {  	[sflag:s3] =	ssyncadd.s32 $0xFFFFFFC0  }
0x18: {  	[tilespmem:s7], [sflag:$0x1] =	stream.indirect.gather [hbm4b:s5+s6], $0x80, s2, s6, $0xb8;
	[tilespmem:$0x2080] =	vst v63  }
0x19: {  	_ =	swait.ge [sflag:s8], $0x2000  }
.Ltmp1:
0x1a: {  	[sflag:s8] =	ssyncset.done $0x0;
	(pc) =	sbr.rel @p0 .LBB2_1-.Ltmp1, $4  }
0x1b: {  	[sflag:s8] =	ssyncadd.s32 $0xFFFFE000  }
0x1c: {  	[hbm4b:s9+s2] =	stream.linear.scatter [tilespmem:s7], [sflag:$0x2], $0x2000, $0x38;
	[tilespmem:$0x2080] =	vst v63  }
0x1d: {  	_ =	swait.ge [sflag:s3], $0x2000  }
0x1e: {  	[sflag:s3] =	ssyncset.done $0x0  }
.LBB2_2:
0x1f: {  	[sflag:s3] =	ssyncadd.s32 $0xFFFFE000  }
0x20: {  	_ =	sfence.sel $0x180000  }
0x21: {  	[bflag:$0x0] =	sbarrier.arrive $0xFFFF  }
0x22: {  	p0 =	sne.s32 s0, $0x0;
	_ =	strace $0x90000047  }
0x23: {  	s0 =	sadd.s32 @!p0 $0x100000, s1;
	[bflag:$0x2] =	sbarrier.arrive $0xFFFF  }
0x24: {  	[sflag:s0] =	ssyncadd.tile.s32 @!p0 $0x1;
	_ =	shalt  }
.Lfunc_end2:
_tile_overlayer_lowered:
.L_overlay_start_2:
0x25: {  	(tag) =	ssettag $0x2  }
0x26: {  	s0 =	rddreg [dreg:$0x0];
	s2 =	stileid.u32  }
0x27: {  	s1 =	rddreg [dreg:$0x1];
	p0 =	sne.s32 s2, $0x0  }
0x28: {  	s3 =	rddreg [dreg:$0x2];
	[bflag:$0x3] =	sbarrier.arrive $0xFFFF;
	s2 =	simm.s32 @!p0 $0x1C02  }
0x29: {  	[timem:s3], [sflag:s2] =	dma.local @!p0 [hbm:s0], s1  }
0x2a: {  	s0 =	simm.s32 @!p0 $0x2  }
0x2b: {  	_ =	swait.ge @!p0 [sflag:s0], s1  }
0x2c: {  	s1 =	ssub.s32 @!p0 $0x0, s1;
	[sflag:s0] =	ssyncset.done @!p0 $0x0  }
0x2d: {  	[sflag:s0] =	ssyncadd.s32 @!p0 s1  }
0x2e: {  	[bflag:$0x3] =	sbarrier.arrive $0xFFFF  }
0x2f: {  	_ =	shalt  }

</sc_bundles>
